<compile_context>
chip_gen: v7x
topology: tpu7x:2x2x1
jax: 0.10.2.dev20260603
libtpu: 0.0.44.dev20260713+nightly
codegen_flags: <defaults>
</compile_context>

<pallas_src>
import functools
import math

import jax
import jax.numpy as jnp
import numpy as np
from jax import lax
from jax.experimental import pallas as pl
from jax.experimental.pallas import tpu as pltpu
from jax.experimental.pallas import tpu_sc as plsc

H = 8
NCORE = 2
NSUB = 16
CHUNK = 128


def _proj_body(x_ref, wq_ref, wk_ref, wv_ref, wskip_ref, wet_ref,
               q_ref, k_ref, v_ref, skip_ref, qwe_ref, *, scale, ch, edim,
               half):
    x = x_ref[...]
    q = jnp.dot(x, wq_ref[...], preferred_element_type=jnp.float32, precision=lax.Precision.HIGHEST) * scale
    k = jnp.dot(x, wk_ref[...], preferred_element_type=jnp.float32, precision=lax.Precision.HIGHEST)
    v = jnp.dot(x, wv_ref[...], preferred_element_type=jnp.float32, precision=lax.Precision.HIGHEST)
    s = jnp.dot(x, wskip_ref[...], preferred_element_type=jnp.float32, precision=lax.Precision.HIGHEST)
    half = (H // NCORE) * ch
    for c in range(NCORE):
        q_ref[c, :, :] = q[:, c * half:(c + 1) * half]
        k_ref[c, :, :] = k[:, c * half:(c + 1) * half]
        v_ref[c, :, :] = v[:, c * half:(c + 1) * half]
        skip_ref[c, :, :] = s[:, c * half:(c + 1) * half]
    wet = wet_ref[...]
    hh = H // NCORE
    nrows = x.shape[0]
    for c in range(NCORE):
        parts = []
        for hl in range(hh):
            h = c * hh + hl
            parts.append(jnp.dot(q[:, h * ch:(h + 1) * ch],
                                 wet[h * ch:(h + 1) * ch, :],
                                 preferred_element_type=jnp.float32, precision=lax.Precision.HIGHEST))
        parts.append(jnp.zeros((nrows, half - hh * edim), jnp.float32))
        qwe_ref[c, :, :] = jnp.concatenate(parts, axis=1)


def _gather_body(q2, k2, v2, qwe2, dst2, src2, qd, ks, vs, qwed,
                 idxd, idxs, bq, bk, bv, bw, sq, sk, sv, sw,
                 *, n_chunks, per_worker, e_pad):
    c = lax.axis_index("c")
    s = lax.axis_index("s")

    def body(i, carry):
        base = s * per_worker + i * CHUNK
        ebase = c * e_pad + base
        pltpu.sync_copy(dst2.at[pl.ds(ebase, CHUNK)], idxd)
        pltpu.sync_copy(src2.at[pl.ds(ebase, CHUNK)], idxs)
        h1 = pltpu.async_copy(q2.at[idxd], bq, sq)
        h2 = pltpu.async_copy(k2.at[idxs], bk, sk)
        h3 = pltpu.async_copy(v2.at[idxs], bv, sv)
        h4 = pltpu.async_copy(qwe2.at[idxd], bw, sw)
        h1.wait(); h2.wait(); h3.wait(); h4.wait()
        pltpu.sync_copy(bq, qd.at[c, pl.ds(base, CHUNK)])
        pltpu.sync_copy(bk, ks.at[c, pl.ds(base, CHUNK)])
        pltpu.sync_copy(bv, vs.at[c, pl.ds(base, CHUNK)])
        pltpu.sync_copy(bw, qwed.at[c, pl.ds(base, CHUNK)])
        return carry

    lax.fori_loop(0, n_chunks, body, 0)


def _alpha_body(qd_ref, ks_ref, qwed_ref, ea_ref, alpha_ref, pm_ref,
                *, be, n_edges, ch, edim):
    hh = H // NCORE
    s32 = (lax.broadcasted_iota(jnp.int32, (hh * ch, hh), 0) // ch ==
           lax.broadcasted_iota(jnp.int32, (hh * ch, hh), 1)).astype(jnp.float32)
    s12 = (lax.broadcasted_iota(jnp.int32, (hh * edim, hh), 0) // edim ==
           lax.broadcasted_iota(jnp.int32, (hh * edim, hh), 1)).astype(jnp.float32)
    eat = jnp.concatenate([ea_ref[...]] * hh, axis=1)
    pid = pl.program_id(0)
    valid = (pid * be + lax.broadcasted_iota(jnp.int32, (be, hh), 0)) < n_edges
    for c in range(NCORE):
        prod = qd_ref[c] * ks_ref[c]
        a = (jnp.dot(prod, s32, preferred_element_type=jnp.float32,
                     precision=lax.Precision.HIGHEST) +
             jnp.dot(qwed_ref[c][:, :hh * edim] * eat, s12,
                     preferred_element_type=jnp.float32,
                     precision=lax.Precision.HIGHEST))
        alpha_ref[c, :, :] = a
        pm_ref[0, c, :] = jnp.max(jnp.where(valid, a, -1e30), axis=0)


def _payload_body(alpha_ref, pm_ref, vs_ref, ea_ref, ew_ref,
                  msgv_ref, pay2_ref, *, be, n_edges, ch, edim):
    hh = H // NCORE
    pid = pl.program_id(0)
    valid = (pid * be + lax.broadcasted_iota(jnp.int32, (be, hh), 0)) < n_edges
    r32 = (lax.broadcasted_iota(jnp.int32, (hh, hh * ch), 1) // ch ==
           lax.broadcasted_iota(jnp.int32, (hh, hh * ch), 0)).astype(jnp.float32)
    r12 = (lax.broadcasted_iota(jnp.int32, (hh, hh * edim), 1) // edim ==
           lax.broadcasted_iota(jnp.int32, (hh, hh * edim), 0)).astype(jnp.float32)
    eat = jnp.concatenate([ea_ref[...]] * hh, axis=1)
    ew = ew_ref[...]
    pad = hh * ch - hh * edim - hh
    m = jnp.max(pm_ref[...], axis=0)
    for c in range(NCORE):
        eaz = jnp.where(valid, jnp.exp(alpha_ref[c] - m[c]), 0.0)
        eaw = eaz * ew
        msgv_ref[c, :, :] = vs_ref[c] * jnp.dot(eaw, r32,
                                                preferred_element_type=jnp.float32, precision=lax.Precision.HIGHEST)
        p48 = eat * jnp.dot(eaw, r12, preferred_element_type=jnp.float32, precision=lax.Precision.HIGHEST)
        pay2_ref[c, :, :] = jnp.concatenate(
            [p48, eaz, jnp.zeros((be, pad), jnp.float32)], axis=1)


def _scatter_body(pay, dstp, zrows, outp, acc, idx, bv,
                  *, n_chunks, per_worker, rows_per_tile):
    c = lax.axis_index("c")
    s = lax.axis_index("s")
    rows0 = s * rows_per_tile
    pltpu.sync_copy(zrows.at[pl.ds(0, rows_per_tile)],
                    acc.at[pl.ds(rows0, rows_per_tile)])
    plsc.subcore_barrier()

    def body(i, carry):
        base = s * per_worker + i * CHUNK
        pltpu.sync_copy(dstp.at[pl.ds(base, CHUNK)], idx)
        pltpu.sync_copy(pay.at[c, pl.ds(base, CHUNK)], bv)
        pltpu.sync_copy(bv, acc.at[idx], add=True)
        return carry

    lax.fori_loop(0, n_chunks, body, 0)
    plsc.subcore_barrier()
    pltpu.sync_copy(acc.at[pl.ds(rows0, rows_per_tile)],
                    outp.at[c, pl.ds(rows0, rows_per_tile)])


def _combine_body(outv_ref, t2_ref, skip_ref, wes_ref, batch_ref,
                  sums_ref, counts_ref, *, bn, nb, ch, edim):
    hh = H // NCORE
    pid = pl.program_id(0)

    @pl.when(pid == 0)
    def _init():
        sums_ref[...] = jnp.zeros_like(sums_ref)
        counts_ref[...] = jnp.zeros_like(counts_ref)

    bt = batch_ref[0]
    oh = (lax.broadcasted_iota(jnp.int32, (nb, bn), 0) == bt).astype(jnp.float32)
    counts_ref[...] += jnp.dot(oh, jnp.ones((bn, 1), jnp.float32),
                               preferred_element_type=jnp.float32,
                               precision=lax.Precision.HIGHEST)
    dsel = (lax.broadcasted_iota(jnp.int32, (hh, hh * ch), 1) // ch ==
            lax.broadcasted_iota(jnp.int32, (hh, hh * ch), 0)).astype(jnp.float32)
    for c in range(NCORE):
        t2c = t2_ref[c]
        t48 = t2c[:, :hh * edim]
        denom = t2c[:, hh * edim:hh * edim + hh]
        agg = outv_ref[c] + jnp.dot(t48, wes_ref[c],
                                    preferred_element_type=jnp.float32,
                                    precision=lax.Precision.HIGHEST)
        dmat = jnp.dot(denom, dsel, preferred_element_type=jnp.float32,
                       precision=lax.Precision.HIGHEST) + 1e-16
        o = jnp.maximum(agg / dmat + skip_ref[c], 0.0)
        sums_ref[c, :, :] += jnp.dot(oh, o, preferred_element_type=jnp.float32,
                                     precision=lax.Precision.HIGHEST)


def _logits_body(sums_ref, counts_ref, wout_ref, bout_ref, o_ref):
    scale = 1.0 / jnp.maximum(counts_ref[...], 1.0)
    total = None
    for c in range(NCORE):
        pooled = sums_ref[c] * scale
        part = jnp.dot(pooled, wout_ref[c], preferred_element_type=jnp.float32,
                       precision=lax.Precision.HIGHEST)
        total = part if total is None else total + part
    o_ref[...] = total + bout_ref[0, 0]


def kernel(x, edge_attr, edge_weight, Wq, Wk, Wv, We, Wskip, Wout, bout,
           edge_index, batch):
    n, fin = x.shape
    e, edim = edge_attr.shape
    d = Wq.shape[1]
    ch = d // H
    nb = 64
    hh = H // NCORE
    half = hh * ch
    scale = 1.0 / np.sqrt(ch)

    be = 2048
    grain = math.lcm(be, NSUB * CHUNK)
    e_pad = ((e + grain - 1) // grain) * grain
    per_worker = e_pad // NSUB
    n_chunks = per_worker // CHUNK
    rows_per_tile = ((n + NSUB - 1) // NSUB + 127) // 128 * 128
    n_pad = rows_per_tile * NSUB
    n_blk = e_pad // be

    src = edge_index[0]
    dst = edge_index[1]
    padlen = e_pad - e
    src_p = jnp.pad(src, (0, padlen)).astype(jnp.int32)
    dst_p = jnp.pad(dst, (0, padlen)).astype(jnp.int32)
    off = (jnp.arange(NCORE, dtype=jnp.int32) * n)[:, None]
    src2 = (src_p[None, :] + off).reshape(-1)
    dst2 = (dst_p[None, :] + off).reshape(-1)
    ea_p = jnp.pad(edge_attr, ((0, padlen), (0, 0)))
    ew_p = jnp.pad(edge_weight, (0, padlen))[:, None]
    wet = We.T
    wtmp = We.reshape(edim, NCORE, hh, ch).transpose(1, 2, 0, 3)
    wes = jnp.einsum("cldh,lk->cdlkh", wtmp, jnp.eye(hh, dtype=We.dtype))
    wes = wes.transpose(0, 2, 1, 3, 4).reshape(NCORE, hh * edim, half)
    wout2 = Wout.reshape(NCORE, half, 1)
    boutr = bout.reshape(1, 1)
    z128 = jnp.zeros((rows_per_tile, half), jnp.float32)
    batchr = batch.astype(jnp.int32).reshape(1, n)

    f32 = jnp.float32

    bn = 2000 if n % 2000 == 0 else n
    k1 = pl.pallas_call(
        functools.partial(_proj_body, scale=scale, ch=ch, edim=edim,
                          half=half),
        grid=(n // bn,),
        in_specs=[pl.BlockSpec((bn, fin), lambda i: (i, 0))] +
                 [pl.BlockSpec((fin, d), lambda i: (0, 0))] * 4 +
                 [pl.BlockSpec((d, edim), lambda i: (0, 0))],
        out_specs=[pl.BlockSpec((NCORE, bn, half), lambda i: (0, i, 0))] * 5,
        out_shape=[jax.ShapeDtypeStruct((NCORE, n, half), f32)] * 5,
    )
    q2, k2, v2, skip2, qwe2 = k1(x, Wq, Wk, Wv, Wskip, wet)

    mesh = plsc.VectorSubcoreMesh(core_axis_name="c", subcore_axis_name="s")
    gather = pl.kernel(
        functools.partial(_gather_body, n_chunks=n_chunks,
                          per_worker=per_worker, e_pad=e_pad),
        out_type=[jax.ShapeDtypeStruct((NCORE, e_pad, half), f32)] * 4,
        mesh=mesh,
        scratch_types=[
            pltpu.VMEM((CHUNK,), jnp.int32),
            pltpu.VMEM((CHUNK,), jnp.int32),
            pltpu.VMEM((CHUNK, half), f32),
            pltpu.VMEM((CHUNK, half), f32),
            pltpu.VMEM((CHUNK, half), f32),
            pltpu.VMEM((CHUNK, half), f32),
        ] + [pltpu.SemaphoreType.DMA] * 4,
    )
    qd, ks, vs, qwed = gather(
        q2.reshape(NCORE * n, half), k2.reshape(NCORE * n, half),
        v2.reshape(NCORE * n, half), qwe2.reshape(NCORE * n, half),
        dst2, src2)

    k3 = pl.pallas_call(
        functools.partial(_alpha_body, be=be, n_edges=e, ch=ch, edim=edim),
        grid=(n_blk,),
        in_specs=[
            pl.BlockSpec((NCORE, be, half), lambda i: (0, i, 0)),
            pl.BlockSpec((NCORE, be, half), lambda i: (0, i, 0)),
            pl.BlockSpec((NCORE, be, half), lambda i: (0, i, 0)),
            pl.BlockSpec((be, edim), lambda i: (i, 0)),
        ],
        out_specs=[
            pl.BlockSpec((NCORE, be, hh), lambda i: (0, i, 0)),
            pl.BlockSpec((1, NCORE, hh), lambda i: (i, 0, 0)),
        ],
        out_shape=[jax.ShapeDtypeStruct((NCORE, e_pad, hh), f32),
                   jax.ShapeDtypeStruct((n_blk, NCORE, hh), f32)],
    )
    alpha, pm = k3(qd, ks, qwed, ea_p)

    k4 = pl.pallas_call(
        functools.partial(_payload_body, be=be, n_edges=e, ch=ch, edim=edim),
        grid=(n_blk,),
        in_specs=[
            pl.BlockSpec((NCORE, be, hh), lambda i: (0, i, 0)),
            pl.BlockSpec((n_blk, NCORE, hh), lambda i: (0, 0, 0)),
            pl.BlockSpec((NCORE, be, half), lambda i: (0, i, 0)),
            pl.BlockSpec((be, edim), lambda i: (i, 0)),
            pl.BlockSpec((be, 1), lambda i: (i, 0)),
        ],
        out_specs=[
            pl.BlockSpec((NCORE, be, half), lambda i: (0, i, 0)),
            pl.BlockSpec((NCORE, be, half), lambda i: (0, i, 0)),
        ],
        out_shape=[jax.ShapeDtypeStruct((NCORE, e_pad, half), f32),
                   jax.ShapeDtypeStruct((NCORE, e_pad, half), f32)],
    )
    msgv, pay2 = k4(alpha, pm, vs, ea_p, ew_p)

    def _mk_scatter(width):
        return pl.kernel(
            functools.partial(_scatter_body, n_chunks=n_chunks,
                              per_worker=per_worker,
                              rows_per_tile=rows_per_tile),
            out_type=jax.ShapeDtypeStruct((NCORE, n_pad, width), f32),
            mesh=mesh,
            scratch_types=[
                pltpu.VMEM_SHARED((n_pad, width), f32),
                pltpu.VMEM((CHUNK,), jnp.int32),
                pltpu.VMEM((CHUNK, width), f32),
            ],
        )
    sc5 = _mk_scatter(half)
    outv = sc5(msgv, dst_p, z128)
    t2 = sc5(pay2, dst_p, z128)

    bn = 2000 if n % 2000 == 0 else n
    k6a = pl.pallas_call(
        functools.partial(_combine_body, bn=bn, nb=nb, ch=ch, edim=edim),
        grid=(n // bn,),
        in_specs=[
            pl.BlockSpec((NCORE, bn, half), lambda i: (0, i, 0)),
            pl.BlockSpec((NCORE, bn, half), lambda i: (0, i, 0)),
            pl.BlockSpec((NCORE, bn, half), lambda i: (0, i, 0)),
            pl.BlockSpec((NCORE, hh * edim, half), lambda i: (0, 0, 0)),
            pl.BlockSpec((1, 1, bn), lambda i: (i, 0, 0)),
        ],
        out_specs=[
            pl.BlockSpec((NCORE, nb, half), lambda i: (0, 0, 0)),
            pl.BlockSpec((nb, 1), lambda i: (0, 0)),
        ],
        out_shape=[jax.ShapeDtypeStruct((NCORE, nb, half), f32),
                   jax.ShapeDtypeStruct((nb, 1), f32)],
    )
    sums, counts = k6a(outv[:, :n], t2[:, :n], skip2, wes,
                       batchr.reshape(n // bn, 1, bn))

    k6b = pl.pallas_call(
        _logits_body,
        out_shape=jax.ShapeDtypeStruct((nb, 1), f32),
    )
    logits = k6b(sums, counts, wout2, boutr)
    return logits[:, 0]

# --- scband reference (transcript-rebuilt; emitter-appended) ---
"""Pipeline reference for scband-graph-mhc-28999619183081 (READ-ONLY COPY).

The authoritative reference and input builder live on the scoring server;
editing this copy changes nothing except your own understanding.
"""

import jax, jax.numpy as jnp
import numpy as np

N = 10000
E = 160000
FIN = 31
EDIM = 12
H = 8
CH = 32  # channels(256) split across heads(8), PyG TransformerConv-style
D = H * CH
B = 64


def setup_inputs(seed: int = 0):
    key = jax.random.key(seed)
    ks = jax.random.split(key, 11)
    s = 0.05
    x = jax.random.normal(ks[0], (N, FIN), dtype=jnp.float32)
    edge_attr = jax.random.uniform(ks[1], (E, EDIM), dtype=jnp.float32)
    edge_index = jax.random.randint(ks[2], (2, E), 0, N)
    edge_weight = jax.random.uniform(ks[3], (E,), dtype=jnp.float32)
    batch = jnp.sort(jax.random.randint(ks[4], (N,), 0, B))
    Wq = jax.random.normal(ks[5], (FIN, D), dtype=jnp.float32) * s
    Wk = jax.random.normal(ks[6], (FIN, D), dtype=jnp.float32) * s
    Wv = jax.random.normal(ks[7], (FIN, D), dtype=jnp.float32) * s
    We = jax.random.normal(ks[8], (EDIM, D), dtype=jnp.float32) * s
    Wskip = jax.random.normal(ks[9], (FIN, D), dtype=jnp.float32) * s
    Wout = jax.random.normal(ks[10], (D, 1), dtype=jnp.float32) * s
    bout = jnp.zeros((1,), dtype=jnp.float32)
    return {"x": x, "edge_attr": edge_attr, "edge_weight": edge_weight,
            "Wq": Wq, "Wk": Wk, "Wv": Wv, "We": We, "Wskip": Wskip,
            "Wout": Wout, "bout": bout,
            "edge_index": edge_index, "batch": batch}


def reference(x, edge_attr, edge_weight, Wq, Wk, Wv, We, Wskip, Wout, bout, edge_index, batch):
    n = x.shape[0]
    src = edge_index[0]
    dst = edge_index[1]
    q = (x @ Wq).reshape(n, H, CH)
    k = (x @ Wk).reshape(n, H, CH)
    v = (x @ Wv).reshape(n, H, CH)
    e = (edge_attr @ We).reshape(-1, H, CH)
    k_e = k[src] + e                                # gather + edge bias
    alpha = (q[dst] * k_e).sum(-1) / np.sqrt(CH)    # [E, H]
    m = jax.ops.segment_max(alpha, dst, num_segments=n)
    m = jnp.where(jnp.isfinite(m), m, 0.0)
    ea = jnp.exp(alpha - m[dst])
    denom = jax.ops.segment_sum(ea, dst, num_segments=n)
    attn = ea / (denom[dst] + 1e-16)
    attn = attn * edge_weight[:, None]              # bond-order weighting
    msg = (v[src] + e) * attn[:, :, None]
    out = jax.ops.segment_sum(msg, dst, num_segments=n).reshape(n, D)
    out = jax.nn.relu(out + x @ Wskip)
    sums = jax.ops.segment_sum(out, batch, num_segments=B)
    counts = jax.ops.segment_sum(jnp.ones((n,), dtype=jnp.float32), batch, num_segments=B)
    pooled = sums / jnp.maximum(counts, 1.0)[:, None]
    logits = pooled @ Wout + bout
    return logits.squeeze(-1)

if __name__ == "__main__":
    import jax
    _d = setup_inputs()
    print(jax.jit(kernel)(*tuple(_d.values())))

</pallas_src>

<mosaic_0001>
#map = affine_map<(d0, d1) -> (0, 0, 0)>
#map1 = affine_map<(d0, d1) -> (0)>
#map2 = affine_map<(d0, d1) -> (0, 0)>
module attributes {stable_mosaic.version = 14 : i64} {
  func.func @_scatter_body(%arg0: i32, %arg1: i32, %arg2: memref<2x161792x128xf32, #tpu.memory_space<hbm>>, %arg3: memref<161792xi32, #tpu.memory_space<hbm>>, %arg4: memref<640x128xf32, #tpu.memory_space<hbm>>, %arg5: memref<2x10240x128xf32, #tpu.memory_space<hbm>>, %arg6: memref<10240x128xf32, #tpu.memory_space<vmem_shared>>, %arg7: memref<128xi32, #tpu.memory_space<vmem>>, %arg8: memref<128x128xf32, #tpu.memory_space<vmem>>) attributes {dimension_semantics = [#tpu.dimension_semantics<core_parallel>, #tpu.dimension_semantics<subcore_parallel>], iteration_bounds = array<i64: 2, 16>, scalar_prefetch = 0 : i64, scratch_operands = 3 : i64, tpu.core_type = #tpu.core_type<sc_vector_subcore>, window_params = [{transform_indices = #map}, {transform_indices = #map1}, {transform_indices = #map2}, {transform_indices = #map}]} {
    %mul3A = arith.constant 640 : i32
    %mul3A_0 = arith.muli %arg1, %mul3A : i32
    "tpu.region"() ({
      %run_scoped3A = tpu.sem_alloc : memref<!tpu.dma_semaphore, #tpu.memory_space<semaphore_mem>>
      %dma_start3A = arith.constant 0 : i32
      %dma_start3A_7 = tpu.memref_slice %arg6[%mul3A_0, %dma_start3A] : memref<10240x128xf32, #tpu.memory_space<vmem_shared>> -> memref<640x128xf32, #tpu.memory_space<vmem_shared>>
      %dma_start3A_8 = arith.constant 0 : i32
      %dma_start3A_9 = arith.constant 0 : i32
      %dma_start3A_10 = tpu.memref_slice %arg4[%dma_start3A_8, %dma_start3A_9] : memref<640x128xf32, #tpu.memory_space<hbm>> -> memref<640x128xf32, #tpu.memory_space<hbm>>
      tpu.enqueue_dma source(%dma_start3A_10 : memref<640x128xf32, #tpu.memory_space<hbm>>) target(%dma_start3A_7 : memref<640x128xf32, #tpu.memory_space<vmem_shared>>) target_semaphore(%run_scoped3A : memref<!tpu.dma_semaphore, #tpu.memory_space<semaphore_mem>>)
      %dma_wait3A = arith.constant 0 : i32
      %dma_wait3A_11 = tpu.memref_slice %arg6[%mul3A_0, %dma_wait3A] : memref<10240x128xf32, #tpu.memory_space<vmem_shared>> -> memref<640x128xf32, #tpu.memory_space<vmem_shared>>
      %dma_wait3A_12 = arith.constant 0 : i32
      %dma_wait3A_13 = arith.constant 0 : i32
      %dma_wait3A_14 = tpu.memref_slice %arg4[%dma_wait3A_12, %dma_wait3A_13] : memref<640x128xf32, #tpu.memory_space<hbm>> -> memref<640x128xf32, #tpu.memory_space<hbm>>
      tpu.wait_dma2 semaphore(%run_scoped3A : memref<!tpu.dma_semaphore, #tpu.memory_space<semaphore_mem>>) src(%dma_wait3A_14 : memref<640x128xf32, #tpu.memory_space<hbm>>) dst(%dma_wait3A_11 : memref<640x128xf32, #tpu.memory_space<vmem_shared>>)
      tpu.yield
    }) : () -> ()
    %barrier3A = arith.constant 0 : index
    tpu.barrier barrier_id(%barrier3A)
    %scan3A = arith.constant 0 : i32
    %scan3A_1 = arith.constant 0 : i32
    %scan3A_2 = arith.constant 79 : i32
    %scan3A_3 = arith.addi %scan3A_1, %scan3A_2 : i32
    %scan3A_4 = arith.constant 1 : i32
    scf.for %scan3A_7 = %scan3A_1 to %scan3A_3 step %scan3A_4  : i32 {
      %mul3A_8 = arith.constant 10112 : i32
      %mul3A_9 = arith.muli %arg1, %mul3A_8 : i32
      %mul3A_10 = arith.constant 128 : i32
      %mul3A_11 = arith.muli %scan3A_7, %mul3A_10 : i32
      %add3A = arith.addi %mul3A_9, %mul3A_11 : i32
      "tpu.region"() ({
        %run_scoped3A = tpu.sem_alloc : memref<!tpu.dma_semaphore, #tpu.memory_space<semaphore_mem>>
        %dma_start3A = tpu.memref_slice %arg3[%add3A] : memref<161792xi32, #tpu.memory_space<hbm>> -> memref<128xi32, #tpu.memory_space<hbm>>
        %dma_start3A_12 = tpu.memref_slice %arg3[%add3A] : memref<161792xi32, #tpu.memory_space<hbm>> -> memref<128xi32, #tpu.memory_space<hbm>>
        tpu.enqueue_dma source(%dma_start3A_12 : memref<128xi32, #tpu.memory_space<hbm>>) target(%arg7 : memref<128xi32, #tpu.memory_space<vmem>>) target_semaphore(%run_scoped3A : memref<!tpu.dma_semaphore, #tpu.memory_space<semaphore_mem>>)
        %dma_wait3A = tpu.memref_slice %arg3[%add3A] : memref<161792xi32, #tpu.memory_space<hbm>> -> memref<128xi32, #tpu.memory_space<hbm>>
        %dma_wait3A_13 = tpu.memref_slice %arg3[%add3A] : memref<161792xi32, #tpu.memory_space<hbm>> -> memref<128xi32, #tpu.memory_space<hbm>>
        tpu.wait_dma2 semaphore(%run_scoped3A : memref<!tpu.dma_semaphore, #tpu.memory_space<semaphore_mem>>) src(%dma_wait3A_13 : memref<128xi32, #tpu.memory_space<hbm>>) dst(%arg7 : memref<128xi32, #tpu.memory_space<vmem>>)
        tpu.yield
      }) : () -> ()
      "tpu.region"() ({
        %run_scoped3A = tpu.sem_alloc : memref<!tpu.dma_semaphore, #tpu.memory_space<semaphore_mem>>
        %dma_start3A = arith.constant 0 : i32
        %dma_start3A_12 = tpu.memref_slice %arg2[%arg0, %add3A, %dma_start3A] : memref<2x161792x128xf32, #tpu.memory_space<hbm>> -> memref<1x128x128xf32, #tpu.memory_space<hbm>>
        %dma_start3A_13 = tpu.memref_squeeze %dma_start3A_12 : memref<1x128x128xf32, #tpu.memory_space<hbm>> -> memref<128x128xf32, #tpu.memory_space<hbm>>
        %dma_start3A_14 = arith.constant 0 : i32
        %dma_start3A_15 = tpu.memref_slice %arg2[%arg0, %add3A, %dma_start3A_14] : memref<2x161792x128xf32, #tpu.memory_space<hbm>> -> memref<1x128x128xf32, #tpu.memory_space<hbm>>
        %dma_start3A_16 = tpu.memref_squeeze %dma_start3A_15 : memref<1x128x128xf32, #tpu.memory_space<hbm>> -> memref<128x128xf32, #tpu.memory_space<hbm>>
        tpu.enqueue_dma source(%dma_start3A_16 : memref<128x128xf32, #tpu.memory_space<hbm>>) target(%arg8 : memref<128x128xf32, #tpu.memory_space<vmem>>) target_semaphore(%run_scoped3A : memref<!tpu.dma_semaphore, #tpu.memory_space<semaphore_mem>>)
        %dma_wait3A = arith.constant 0 : i32
        %dma_wait3A_17 = tpu.memref_slice %arg2[%arg0, %add3A, %dma_wait3A] : memref<2x161792x128xf32, #tpu.memory_space<hbm>> -> memref<1x128x128xf32, #tpu.memory_space<hbm>>
        %dma_wait3A_18 = tpu.memref_squeeze %dma_wait3A_17 : memref<1x128x128xf32, #tpu.memory_space<hbm>> -> memref<128x128xf32, #tpu.memory_space<hbm>>
        %dma_wait3A_19 = arith.constant 0 : i32
        %dma_wait3A_20 = tpu.memref_slice %arg2[%arg0, %add3A, %dma_wait3A_19] : memref<2x161792x128xf32, #tpu.memory_space<hbm>> -> memref<1x128x128xf32, #tpu.memory_space<hbm>>
        %dma_wait3A_21 = tpu.memref_squeeze %dma_wait3A_20 : memref<1x128x128xf32, #tpu.memory_space<hbm>> -> memref<128x128xf32, #tpu.memory_space<hbm>>
        tpu.wait_dma2 semaphore(%run_scoped3A : memref<!tpu.dma_semaphore, #tpu.memory_space<semaphore_mem>>) src(%dma_wait3A_21 : memref<128x128xf32, #tpu.memory_space<hbm>>) dst(%arg8 : memref<128x128xf32, #tpu.memory_space<vmem>>)
        tpu.yield
      }) : () -> ()
      "tpu.region"() ({
        %run_scoped3A = tpu.sem_alloc : memref<!tpu.dma_semaphore, #tpu.memory_space<semaphore_mem>>
        %dma_start3A = arith.constant 0 : i32
        %dma_start3A_12 = arith.constant 0 : i32
        %dma_start3A_13 = tpu.memref_slice %arg6[%dma_start3A, %dma_start3A_12] : memref<10240x128xf32, #tpu.memory_space<vmem_shared>> -> memref<10240x128xf32, #tpu.memory_space<vmem_shared>>
        tpu.enqueue_indirect_dma source(%arg8 : memref<128x128xf32, #tpu.memory_space<vmem>>) target(%dma_start3A_13 : memref<10240x128xf32, #tpu.memory_space<vmem_shared>>) offsets(%arg7 : memref<128xi32, #tpu.memory_space<vmem>>) semaphore(%run_scoped3A : memref<!tpu.dma_semaphore, #tpu.memory_space<semaphore_mem>>) {add = true}
        %dma_wait3A = arith.constant 0 : i32
        %dma_wait3A_14 = arith.constant 0 : i32
        %dma_wait3A_15 = tpu.memref_slice %arg6[%dma_wait3A, %dma_wait3A_14] : memref<10240x128xf32, #tpu.memory_space<vmem_shared>> -> memref<10240x128xf32, #tpu.memory_space<vmem_shared>>
        tpu.wait_indirect_dma semaphore(%run_scoped3A : memref<!tpu.dma_semaphore, #tpu.memory_space<semaphore_mem>>) src(%arg8 : memref<128x128xf32, #tpu.memory_space<vmem>>) dst(%dma_wait3A_15 : memref<10240x128xf32, #tpu.memory_space<vmem_shared>>)
        tpu.yield
      }) : () -> ()
    }
    %scan3A_5 = arith.constant 79 : i32
    %barrier3A_6 = arith.constant 0 : index
    tpu.barrier barrier_id(%barrier3A_6)
    "tpu.region"() ({
      %run_scoped3A = tpu.sem_alloc : memref<!tpu.dma_semaphore, #tpu.memory_space<semaphore_mem>>
      %dma_start3A = arith.constant 0 : i32
      %dma_start3A_7 = tpu.memref_slice %arg5[%arg0, %mul3A_0, %dma_start3A] : memref<2x10240x128xf32, #tpu.memory_space<hbm>> -> memref<1x640x128xf32, #tpu.memory_space<hbm>>
      %dma_start3A_8 = tpu.memref_squeeze %dma_start3A_7 : memref<1x640x128xf32, #tpu.memory_space<hbm>> -> memref<640x128xf32, #tpu.memory_space<hbm>>
      %dma_start3A_9 = arith.constant 0 : i32
      %dma_start3A_10 = tpu.memref_slice %arg6[%mul3A_0, %dma_start3A_9] : memref<10240x128xf32, #tpu.memory_space<vmem_shared>> -> memref<640x128xf32, #tpu.memory_space<vmem_shared>>
      tpu.enqueue_dma source(%dma_start3A_10 : memref<640x128xf32, #tpu.memory_space<vmem_shared>>) target(%dma_start3A_8 : memref<640x128xf32, #tpu.memory_space<hbm>>) target_semaphore(%run_scoped3A : memref<!tpu.dma_semaphore, #tpu.memory_space<semaphore_mem>>)
      %dma_wait3A = arith.constant 0 : i32
      %dma_wait3A_11 = tpu.memref_slice %arg5[%arg0, %mul3A_0, %dma_wait3A] : memref<2x10240x128xf32, #tpu.memory_space<hbm>> -> memref<1x640x128xf32, #tpu.memory_space<hbm>>
      %dma_wait3A_12 = tpu.memref_squeeze %dma_wait3A_11 : memref<1x640x128xf32, #tpu.memory_space<hbm>> -> memref<640x128xf32, #tpu.memory_space<hbm>>
      %dma_wait3A_13 = arith.constant 0 : i32
      %dma_wait3A_14 = tpu.memref_slice %arg6[%mul3A_0, %dma_wait3A_13] : memref<10240x128xf32, #tpu.memory_space<vmem_shared>> -> memref<640x128xf32, #tpu.memory_space<vmem_shared>>
      tpu.wait_dma2 semaphore(%run_scoped3A : memref<!tpu.dma_semaphore, #tpu.memory_space<semaphore_mem>>) src(%dma_wait3A_14 : memref<640x128xf32, #tpu.memory_space<vmem_shared>>) dst(%dma_wait3A_12 : memref<640x128xf32, #tpu.memory_space<hbm>>)
      tpu.yield
    }) : () -> ()
    return
  }
}

#map = affine_map<(d0, d1) -> (0, 0)>
#map1 = affine_map<(d0, d1) -> (0)>
#map2 = affine_map<(d0, d1) -> (0, 0, 0)>
module attributes {stable_mosaic.version = 14 : i64} {
  func.func @_gather_body(%arg0: i32, %arg1: i32, %arg2: memref<20000x128xf32, #tpu.memory_space<hbm>>, %arg3: memref<20000x128xf32, #tpu.memory_space<hbm>>, %arg4: memref<20000x128xf32, #tpu.memory_space<hbm>>, %arg5: memref<20000x128xf32, #tpu.memory_space<hbm>>, %arg6: memref<323584xi32, #tpu.memory_space<hbm>>, %arg7: memref<323584xi32, #tpu.memory_space<hbm>>, %arg8: memref<2x161792x128xf32, #tpu.memory_space<hbm>>, %arg9: memref<2x161792x128xf32, #tpu.memory_space<hbm>>, %arg10: memref<2x161792x128xf32, #tpu.memory_space<hbm>>, %arg11: memref<2x161792x128xf32, #tpu.memory_space<hbm>>, %arg12: memref<128xi32, #tpu.memory_space<vmem>>, %arg13: memref<128xi32, #tpu.memory_space<vmem>>, %arg14: memref<128x128xf32, #tpu.memory_space<vmem>>, %arg15: memref<128x128xf32, #tpu.memory_space<vmem>>, %arg16: memref<128x128xf32, #tpu.memory_space<vmem>>, %arg17: memref<128x128xf32, #tpu.memory_space<vmem>>, %arg18: memref<!tpu.dma_semaphore, #tpu.memory_space<semaphore_mem>>, %arg19: memref<!tpu.dma_semaphore, #tpu.memory_space<semaphore_mem>>, %arg20: memref<!tpu.dma_semaphore, #tpu.memory_space<semaphore_mem>>, %arg21: memref<!tpu.dma_semaphore, #tpu.memory_space<semaphore_mem>>) attributes {dimension_semantics = [#tpu.dimension_semantics<core_parallel>, #tpu.dimension_semantics<subcore_parallel>], iteration_bounds = array<i64: 2, 16>, scalar_prefetch = 0 : i64, scratch_operands = 10 : i64, tpu.core_type = #tpu.core_type<sc_vector_subcore>, window_params = [{transform_indices = #map}, {transform_indices = #map}, {transform_indices = #map}, {transform_indices = #map}, {transform_indices = #map1}, {transform_indices = #map1}, {transform_indices = #map2}, {transform_indices = #map2}, {transform_indices = #map2}, {transform_indices = #map2}]} {
    %scan3A = arith.constant 0 : i32
    %scan3A_0 = arith.constant 0 : i32
    %scan3A_1 = arith.constant 79 : i32
    %scan3A_2 = arith.addi %scan3A_0, %scan3A_1 : i32
    %scan3A_3 = arith.constant 1 : i32
    scf.for %scan3A_5 = %scan3A_0 to %scan3A_2 step %scan3A_3  : i32 {
      %mul3A = arith.constant 10112 : i32
      %mul3A_6 = arith.muli %arg1, %mul3A : i32
      %mul3A_7 = arith.constant 128 : i32
      %mul3A_8 = arith.muli %scan3A_5, %mul3A_7 : i32
      %add3A = arith.addi %mul3A_6, %mul3A_8 : i32
      %mul3A_9 = arith.constant 161792 : i32
      %mul3A_10 = arith.muli %arg0, %mul3A_9 : i32
      %add3A_11 = arith.addi %mul3A_10, %add3A : i32
      "tpu.region"() ({
        %run_scoped3A = tpu.sem_alloc : memref<!tpu.dma_semaphore, #tpu.memory_space<semaphore_mem>>
        %dma_start3A_34 = tpu.memref_slice %arg6[%add3A_11] : memref<323584xi32, #tpu.memory_space<hbm>> -> memref<128xi32, #tpu.memory_space<hbm>>
        %dma_start3A_35 = tpu.memref_slice %arg6[%add3A_11] : memref<323584xi32, #tpu.memory_space<hbm>> -> memref<128xi32, #tpu.memory_space<hbm>>
        tpu.enqueue_dma source(%dma_start3A_35 : memref<128xi32, #tpu.memory_space<hbm>>) target(%arg12 : memref<128xi32, #tpu.memory_space<vmem>>) target_semaphore(%run_scoped3A : memref<!tpu.dma_semaphore, #tpu.memory_space<semaphore_mem>>)
        %dma_wait3A_36 = tpu.memref_slice %arg6[%add3A_11] : memref<323584xi32, #tpu.memory_space<hbm>> -> memref<128xi32, #tpu.memory_space<hbm>>
        %dma_wait3A_37 = tpu.memref_slice %arg6[%add3A_11] : memref<323584xi32, #tpu.memory_space<hbm>> -> memref<128xi32, #tpu.memory_space<hbm>>
        tpu.wait_dma2 semaphore(%run_scoped3A : memref<!tpu.dma_semaphore, #tpu.memory_space<semaphore_mem>>) src(%dma_wait3A_37 : memref<128xi32, #tpu.memory_space<hbm>>) dst(%arg12 : memref<128xi32, #tpu.memory_space<vmem>>)
        tpu.yield
      }) : () -> ()
      "tpu.region"() ({
        %run_scoped3A = tpu.sem_alloc : memref<!tpu.dma_semaphore, #tpu.memory_space<semaphore_mem>>
        %dma_start3A_34 = tpu.memref_slice %arg7[%add3A_11] : memref<323584xi32, #tpu.memory_space<hbm>> -> memref<128xi32, #tpu.memory_space<hbm>>
        %dma_start3A_35 = tpu.memref_slice %arg7[%add3A_11] : memref<323584xi32, #tpu.memory_space<hbm>> -> memref<128xi32, #tpu.memory_space<hbm>>
        tpu.enqueue_dma source(%dma_start3A_35 : memref<128xi32, #tpu.memory_space<hbm>>) target(%arg13 : memref<128xi32, #tpu.memory_space<vmem>>) target_semaphore(%run_scoped3A : memref<!tpu.dma_semaphore, #tpu.memory_space<semaphore_mem>>)
        %dma_wait3A_36 = tpu.memref_slice %arg7[%add3A_11] : memref<323584xi32, #tpu.memory_space<hbm>> -> memref<128xi32, #tpu.memory_space<hbm>>
        %dma_wait3A_37 = tpu.memref_slice %arg7[%add3A_11] : memref<323584xi32, #tpu.memory_space<hbm>> -> memref<128xi32, #tpu.memory_space<hbm>>
        tpu.wait_dma2 semaphore(%run_scoped3A : memref<!tpu.dma_semaphore, #tpu.memory_space<semaphore_mem>>) src(%dma_wait3A_37 : memref<128xi32, #tpu.memory_space<hbm>>) dst(%arg13 : memref<128xi32, #tpu.memory_space<vmem>>)
        tpu.yield
      }) : () -> ()
      %dma_start3A = arith.constant 0 : i32
      %dma_start3A_12 = arith.constant 0 : i32
      %dma_start3A_13 = tpu.memref_slice %arg2[%dma_start3A, %dma_start3A_12] : memref<20000x128xf32, #tpu.memory_space<hbm>> -> memref<20000x128xf32, #tpu.memory_space<hbm>>
      tpu.enqueue_indirect_dma source(%dma_start3A_13 : memref<20000x128xf32, #tpu.memory_space<hbm>>) target(%arg14 : memref<128x128xf32, #tpu.memory_space<vmem>>) offsets(%arg12 : memref<128xi32, #tpu.memory_space<vmem>>) semaphore(%arg18 : memref<!tpu.dma_semaphore, #tpu.memory_space<semaphore_mem>>)
      %dma_start3A_14 = arith.constant 0 : i32
      %dma_start3A_15 = arith.constant 0 : i32
      %dma_start3A_16 = tpu.memref_slice %arg3[%dma_start3A_14, %dma_start3A_15] : memref<20000x128xf32, #tpu.memory_space<hbm>> -> memref<20000x128xf32, #tpu.memory_space<hbm>>
      tpu.enqueue_indirect_dma source(%dma_start3A_16 : memref<20000x128xf32, #tpu.memory_space<hbm>>) target(%arg15 : memref<128x128xf32, #tpu.memory_space<vmem>>) offsets(%arg13 : memref<128xi32, #tpu.memory_space<vmem>>) semaphore(%arg19 : memref<!tpu.dma_semaphore, #tpu.memory_space<semaphore_mem>>)
      %dma_start3A_17 = arith.constant 0 : i32
      %dma_start3A_18 = arith.constant 0 : i32
      %dma_start3A_19 = tpu.memref_slice %arg4[%dma_start3A_17, %dma_start3A_18] : memref<20000x128xf32, #tpu.memory_space<hbm>> -> memref<20000x128xf32, #tpu.memory_space<hbm>>
      tpu.enqueue_indirect_dma source(%dma_start3A_19 : memref<20000x128xf32, #tpu.memory_space<hbm>>) target(%arg16 : memref<128x128xf32, #tpu.memory_space<vmem>>) offsets(%arg13 : memref<128xi32, #tpu.memory_space<vmem>>) semaphore(%arg20 : memref<!tpu.dma_semaphore, #tpu.memory_space<semaphore_mem>>)
      %dma_start3A_20 = arith.constant 0 : i32
      %dma_start3A_21 = arith.constant 0 : i32
      %dma_start3A_22 = tpu.memref_slice %arg5[%dma_start3A_20, %dma_start3A_21] : memref<20000x128xf32, #tpu.memory_space<hbm>> -> memref<20000x128xf32, #tpu.memory_space<hbm>>
      tpu.enqueue_indirect_dma source(%dma_start3A_22 : memref<20000x128xf32, #tpu.memory_space<hbm>>) target(%arg17 : memref<128x128xf32, #tpu.memory_space<vmem>>) offsets(%arg12 : memref<128xi32, #tpu.memory_space<vmem>>) semaphore(%arg21 : memref<!tpu.dma_semaphore, #tpu.memory_space<semaphore_mem>>)
      %dma_wait3A = arith.constant 0 : i32
      %dma_wait3A_23 = arith.constant 0 : i32
      %dma_wait3A_24 = tpu.memref_slice %arg2[%dma_wait3A, %dma_wait3A_23] : memref<20000x128xf32, #tpu.memory_space<hbm>> -> memref<20000x128xf32, #tpu.memory_space<hbm>>
      tpu.wait_indirect_dma semaphore(%arg18 : memref<!tpu.dma_semaphore, #tpu.memory_space<semaphore_mem>>) src(%dma_wait3A_24 : memref<20000x128xf32, #tpu.memory_space<hbm>>) dst(%arg14 : memref<128x128xf32, #tpu.memory_space<vmem>>)
      %dma_wait3A_25 = arith.constant 0 : i32
      %dma_wait3A_26 = arith.constant 0 : i32
      %dma_wait3A_27 = tpu.memref_slice %arg3[%dma_wait3A_25, %dma_wait3A_26] : memref<20000x128xf32, #tpu.memory_space<hbm>> -> memref<20000x128xf32, #tpu.memory_space<hbm>>
      tpu.wait_indirect_dma semaphore(%arg19 : memref<!tpu.dma_semaphore, #tpu.memory_space<semaphore_mem>>) src(%dma_wait3A_27 : memref<20000x128xf32, #tpu.memory_space<hbm>>) dst(%arg15 : memref<128x128xf32, #tpu.memory_space<vmem>>)
      %dma_wait3A_28 = arith.constant 0 : i32
      %dma_wait3A_29 = arith.constant 0 : i32
      %dma_wait3A_30 = tpu.memref_slice %arg4[%dma_wait3A_28, %dma_wait3A_29] : memref<20000x128xf32, #tpu.memory_space<hbm>> -> memref<20000x128xf32, #tpu.memory_space<hbm>>
      tpu.wait_indirect_dma semaphore(%arg20 : memref<!tpu.dma_semaphore, #tpu.memory_space<semaphore_mem>>) src(%dma_wait3A_30 : memref<20000x128xf32, #tpu.memory_space<hbm>>) dst(%arg16 : memref<128x128xf32, #tpu.memory_space<vmem>>)
      %dma_wait3A_31 = arith.constant 0 : i32
      %dma_wait3A_32 = arith.constant 0 : i32
      %dma_wait3A_33 = tpu.memref_slice %arg5[%dma_wait3A_31, %dma_wait3A_32] : memref<20000x128xf32, #tpu.memory_space<hbm>> -> memref<20000x128xf32, #tpu.memory_space<hbm>>
      tpu.wait_indirect_dma semaphore(%arg21 : memref<!tpu.dma_semaphore, #tpu.memory_space<semaphore_mem>>) src(%dma_wait3A_33 : memref<20000x128xf32, #tpu.memory_space<hbm>>) dst(%arg17 : memref<128x128xf32, #tpu.memory_space<vmem>>)
      "tpu.region"() ({
        %run_scoped3A = tpu.sem_alloc : memref<!tpu.dma_semaphore, #tpu.memory_space<semaphore_mem>>
        %dma_start3A_34 = arith.constant 0 : i32
        %dma_start3A_35 = tpu.memref_slice %arg8[%arg0, %add3A, %dma_start3A_34] : memref<2x161792x128xf32, #tpu.memory_space<hbm>> -> memref<1x128x128xf32, #tpu.memory_space<hbm>>
        %dma_start3A_36 = tpu.memref_squeeze %dma_start3A_35 : memref<1x128x128xf32, #tpu.memory_space<hbm>> -> memref<128x128xf32, #tpu.memory_space<hbm>>
        %dma_start3A_37 = arith.constant 0 : i32
        %dma_start3A_38 = tpu.memref_slice %arg8[%arg0, %add3A, %dma_start3A_37] : memref<2x161792x128xf32, #tpu.memory_space<hbm>> -> memref<1x128x128xf32, #tpu.memory_space<hbm>>
        %dma_start3A_39 = tpu.memref_squeeze %dma_start3A_38 : memref<1x128x128xf32, #tpu.memory_space<hbm>> -> memref<128x128xf32, #tpu.memory_space<hbm>>
        tpu.enqueue_dma source(%arg14 : memref<128x128xf32, #tpu.memory_space<vmem>>) target(%dma_start3A_39 : memref<128x128xf32, #tpu.memory_space<hbm>>) target_semaphore(%run_scoped3A : memref<!tpu.dma_semaphore, #tpu.memory_space<semaphore_mem>>)
        %dma_wait3A_40 = arith.constant 0 : i32
        %dma_wait3A_41 = tpu.memref_slice %arg8[%arg0, %add3A, %dma_wait3A_40] : memref<2x161792x128xf32, #tpu.memory_space<hbm>> -> memref<1x128x128xf32, #tpu.memory_space<hbm>>
        %dma_wait3A_42 = tpu.memref_squeeze %dma_wait3A_41 : memref<1x128x128xf32, #tpu.memory_space<hbm>> -> memref<128x128xf32, #tpu.memory_space<hbm>>
        %dma_wait3A_43 = arith.constant 0 : i32
        %dma_wait3A_44 = tpu.memref_slice %arg8[%arg0, %add3A, %dma_wait3A_43] : memref<2x161792x128xf32, #tpu.memory_space<hbm>> -> memref<1x128x128xf32, #tpu.memory_space<hbm>>
        %dma_wait3A_45 = tpu.memref_squeeze %dma_wait3A_44 : memref<1x128x128xf32, #tpu.memory_space<hbm>> -> memref<128x128xf32, #tpu.memory_space<hbm>>
        tpu.wait_dma2 semaphore(%run_scoped3A : memref<!tpu.dma_semaphore, #tpu.memory_space<semaphore_mem>>) src(%arg14 : memref<128x128xf32, #tpu.memory_space<vmem>>) dst(%dma_wait3A_45 : memref<128x128xf32, #tpu.memory_space<hbm>>)
        tpu.yield
      }) : () -> ()
      "tpu.region"() ({
        %run_scoped3A = tpu.sem_alloc : memref<!tpu.dma_semaphore, #tpu.memory_space<semaphore_mem>>
        %dma_start3A_34 = arith.constant 0 : i32
        %dma_start3A_35 = tpu.memref_slice %arg9[%arg0, %add3A, %dma_start3A_34] : memref<2x161792x128xf32, #tpu.memory_space<hbm>> -> memref<1x128x128xf32, #tpu.memory_space<hbm>>
        %dma_start3A_36 = tpu.memref_squeeze %dma_start3A_35 : memref<1x128x128xf32, #tpu.memory_space<hbm>> -> memref<128x128xf32, #tpu.memory_space<hbm>>
        %dma_start3A_37 = arith.constant 0 : i32
        %dma_start3A_38 = tpu.memref_slice %arg9[%arg0, %add3A, %dma_start3A_37] : memref<2x161792x128xf32, #tpu.memory_space<hbm>> -> memref<1x128x128xf32, #tpu.memory_space<hbm>>
        %dma_start3A_39 = tpu.memref_squeeze %dma_start3A_38 : memref<1x128x128xf32, #tpu.memory_space<hbm>> -> memref<128x128xf32, #tpu.memory_space<hbm>>
        tpu.enqueue_dma source(%arg15 : memref<128x128xf32, #tpu.memory_space<vmem>>) target(%dma_start3A_39 : memref<128x128xf32, #tpu.memory_space<hbm>>) target_semaphore(%run_scoped3A : memref<!tpu.dma_semaphore, #tpu.memory_space<semaphore_mem>>)
        %dma_wait3A_40 = arith.constant 0 : i32
        %dma_wait3A_41 = tpu.memref_slice %arg9[%arg0, %add3A, %dma_wait3A_40] : memref<2x161792x128xf32, #tpu.memory_space<hbm>> -> memref<1x128x128xf32, #tpu.memory_space<hbm>>
        %dma_wait3A_42 = tpu.memref_squeeze %dma_wait3A_41 : memref<1x128x128xf32, #tpu.memory_space<hbm>> -> memref<128x128xf32, #tpu.memory_space<hbm>>
        %dma_wait3A_43 = arith.constant 0 : i32
        %dma_wait3A_44 = tpu.memref_slice %arg9[%arg0, %add3A, %dma_wait3A_43] : memref<2x161792x128xf32, #tpu.memory_space<hbm>> -> memref<1x128x128xf32, #tpu.memory_space<hbm>>
        %dma_wait3A_45 = tpu.memref_squeeze %dma_wait3A_44 : memref<1x128x128xf32, #tpu.memory_space<hbm>> -> memref<128x128xf32, #tpu.memory_space<hbm>>
        tpu.wait_dma2 semaphore(%run_scoped3A : memref<!tpu.dma_semaphore, #tpu.memory_space<semaphore_mem>>) src(%arg15 : memref<128x128xf32, #tpu.memory_space<vmem>>) dst(%dma_wait3A_45 : memref<128x128xf32, #tpu.memory_space<hbm>>)
        tpu.yield
      }) : () -> ()
      "tpu.region"() ({
        %run_scoped3A = tpu.sem_alloc : memref<!tpu.dma_semaphore, #tpu.memory_space<semaphore_mem>>
        %dma_start3A_34 = arith.constant 0 : i32
        %dma_start3A_35 = tpu.memref_slice %arg10[%arg0, %add3A, %dma_start3A_34] : memref<2x161792x128xf32, #tpu.memory_space<hbm>> -> memref<1x128x128xf32, #tpu.memory_space<hbm>>
        %dma_start3A_36 = tpu.memref_squeeze %dma_start3A_35 : memref<1x128x128xf32, #tpu.memory_space<hbm>> -> memref<128x128xf32, #tpu.memory_space<hbm>>
        %dma_start3A_37 = arith.constant 0 : i32
        %dma_start3A_38 = tpu.memref_slice %arg10[%arg0, %add3A, %dma_start3A_37] : memref<2x161792x128xf32, #tpu.memory_space<hbm>> -> memref<1x128x128xf32, #tpu.memory_space<hbm>>
        %dma_start3A_39 = tpu.memref_squeeze %dma_start3A_38 : memref<1x128x128xf32, #tpu.memory_space<hbm>> -> memref<128x128xf32, #tpu.memory_space<hbm>>
        tpu.enqueue_dma source(%arg16 : memref<128x128xf32, #tpu.memory_space<vmem>>) target(%dma_start3A_39 : memref<128x128xf32, #tpu.memory_space<hbm>>) target_semaphore(%run_scoped3A : memref<!tpu.dma_semaphore, #tpu.memory_space<semaphore_mem>>)
        %dma_wait3A_40 = arith.constant 0 : i32
        %dma_wait3A_41 = tpu.memref_slice %arg10[%arg0, %add3A, %dma_wait3A_40] : memref<2x161792x128xf32, #tpu.memory_space<hbm>> -> memref<1x128x128xf32, #tpu.memory_space<hbm>>
        %dma_wait3A_42 = tpu.memref_squeeze %dma_wait3A_41 : memref<1x128x128xf32, #tpu.memory_space<hbm>> -> memref<128x128xf32, #tpu.memory_space<hbm>>
        %dma_wait3A_43 = arith.constant 0 : i32
        %dma_wait3A_44 = tpu.memref_slice %arg10[%arg0, %add3A, %dma_wait3A_43] : memref<2x161792x128xf32, #tpu.memory_space<hbm>> -> memref<1x128x128xf32, #tpu.memory_space<hbm>>
        %dma_wait3A_45 = tpu.memref_squeeze %dma_wait3A_44 : memref<1x128x128xf32, #tpu.memory_space<hbm>> -> memref<128x128xf32, #tpu.memory_space<hbm>>
        tpu.wait_dma2 semaphore(%run_scoped3A : memref<!tpu.dma_semaphore, #tpu.memory_space<semaphore_mem>>) src(%arg16 : memref<128x128xf32, #tpu.memory_space<vmem>>) dst(%dma_wait3A_45 : memref<128x128xf32, #tpu.memory_space<hbm>>)
        tpu.yield
      }) : () -> ()
      "tpu.region"() ({
        %run_scoped3A = tpu.sem_alloc : memref<!tpu.dma_semaphore, #tpu.memory_space<semaphore_mem>>
        %dma_start3A_34 = arith.constant 0 : i32
        %dma_start3A_35 = tpu.memref_slice %arg11[%arg0, %add3A, %dma_start3A_34] : memref<2x161792x128xf32, #tpu.memory_space<hbm>> -> memref<1x128x128xf32, #tpu.memory_space<hbm>>
        %dma_start3A_36 = tpu.memref_squeeze %dma_start3A_35 : memref<1x128x128xf32, #tpu.memory_space<hbm>> -> memref<128x128xf32, #tpu.memory_space<hbm>>
        %dma_start3A_37 = arith.constant 0 : i32
        %dma_start3A_38 = tpu.memref_slice %arg11[%arg0, %add3A, %dma_start3A_37] : memref<2x161792x128xf32, #tpu.memory_space<hbm>> -> memref<1x128x128xf32, #tpu.memory_space<hbm>>
        %dma_start3A_39 = tpu.memref_squeeze %dma_start3A_38 : memref<1x128x128xf32, #tpu.memory_space<hbm>> -> memref<128x128xf32, #tpu.memory_space<hbm>>
        tpu.enqueue_dma source(%arg17 : memref<128x128xf32, #tpu.memory_space<vmem>>) target(%dma_start3A_39 : memref<128x128xf32, #tpu.memory_space<hbm>>) target_semaphore(%run_scoped3A : memref<!tpu.dma_semaphore, #tpu.memory_space<semaphore_mem>>)
        %dma_wait3A_40 = arith.constant 0 : i32
        %dma_wait3A_41 = tpu.memref_slice %arg11[%arg0, %add3A, %dma_wait3A_40] : memref<2x161792x128xf32, #tpu.memory_space<hbm>> -> memref<1x128x128xf32, #tpu.memory_space<hbm>>
        %dma_wait3A_42 = tpu.memref_squeeze %dma_wait3A_41 : memref<1x128x128xf32, #tpu.memory_space<hbm>> -> memref<128x128xf32, #tpu.memory_space<hbm>>
        %dma_wait3A_43 = arith.constant 0 : i32
        %dma_wait3A_44 = tpu.memref_slice %arg11[%arg0, %add3A, %dma_wait3A_43] : memref<2x161792x128xf32, #tpu.memory_space<hbm>> -> memref<1x128x128xf32, #tpu.memory_space<hbm>>
        %dma_wait3A_45 = tpu.memref_squeeze %dma_wait3A_44 : memref<1x128x128xf32, #tpu.memory_space<hbm>> -> memref<128x128xf32, #tpu.memory_space<hbm>>
        tpu.wait_dma2 semaphore(%run_scoped3A : memref<!tpu.dma_semaphore, #tpu.memory_space<semaphore_mem>>) src(%arg17 : memref<128x128xf32, #tpu.memory_space<vmem>>) dst(%dma_wait3A_45 : memref<128x128xf32, #tpu.memory_space<hbm>>)
        tpu.yield
      }) : () -> ()
    }
    %scan3A_4 = arith.constant 79 : i32
    return
  }
}

#map = affine_map<(d0, d1) -> (0, 0, 0)>
#map1 = affine_map<(d0, d1) -> (0)>
#map2 = affine_map<(d0, d1) -> (0, 0)>
module attributes {stable_mosaic.version = 14 : i64} {
  func.func @_scatter_body(%arg0: i32, %arg1: i32, %arg2: memref<2x161792x128xf32, #tpu.memory_space<hbm>>, %arg3: memref<161792xi32, #tpu.memory_space<hbm>>, %arg4: memref<640x128xf32, #tpu.memory_space<hbm>>, %arg5: memref<2x10240x128xf32, #tpu.memory_space<hbm>>, %arg6: memref<10240x128xf32, #tpu.memory_space<vmem_shared>>, %arg7: memref<128xi32, #tpu.memory_space<vmem>>, %arg8: memref<128x128xf32, #tpu.memory_space<vmem>>) attributes {dimension_semantics = [#tpu.dimension_semantics<core_parallel>, #tpu.dimension_semantics<subcore_parallel>], iteration_bounds = array<i64: 2, 16>, scalar_prefetch = 0 : i64, scratch_operands = 3 : i64, tpu.core_type = #tpu.core_type<sc_vector_subcore>, window_params = [{transform_indices = #map}, {transform_indices = #map1}, {transform_indices = #map2}, {transform_indices = #map}]} {
    %mul3A = arith.constant 640 : i32
    %mul3A_0 = arith.muli %arg1, %mul3A : i32
    "tpu.region"() ({
      %run_scoped3A = tpu.sem_alloc : memref<!tpu.dma_semaphore, #tpu.memory_space<semaphore_mem>>
      %dma_start3A = arith.constant 0 : i32
      %dma_start3A_7 = tpu.memref_slice %arg6[%mul3A_0, %dma_start3A] : memref<10240x128xf32, #tpu.memory_space<vmem_shared>> -> memref<640x128xf32, #tpu.memory_space<vmem_shared>>
      %dma_start3A_8 = arith.constant 0 : i32
      %dma_start3A_9 = arith.constant 0 : i32
      %dma_start3A_10 = tpu.memref_slice %arg4[%dma_start3A_8, %dma_start3A_9] : memref<640x128xf32, #tpu.memory_space<hbm>> -> memref<640x128xf32, #tpu.memory_space<hbm>>
      tpu.enqueue_dma source(%dma_start3A_10 : memref<640x128xf32, #tpu.memory_space<hbm>>) target(%dma_start3A_7 : memref<640x128xf32, #tpu.memory_space<vmem_shared>>) target_semaphore(%run_scoped3A : memref<!tpu.dma_semaphore, #tpu.memory_space<semaphore_mem>>)
      %dma_wait3A = arith.constant 0 : i32
      %dma_wait3A_11 = tpu.memref_slice %arg6[%mul3A_0, %dma_wait3A] : memref<10240x128xf32, #tpu.memory_space<vmem_shared>> -> memref<640x128xf32, #tpu.memory_space<vmem_shared>>
      %dma_wait3A_12 = arith.constant 0 : i32
      %dma_wait3A_13 = arith.constant 0 : i32
      %dma_wait3A_14 = tpu.memref_slice %arg4[%dma_wait3A_12, %dma_wait3A_13] : memref<640x128xf32, #tpu.memory_space<hbm>> -> memref<640x128xf32, #tpu.memory_space<hbm>>
      tpu.wait_dma2 semaphore(%run_scoped3A : memref<!tpu.dma_semaphore, #tpu.memory_space<semaphore_mem>>) src(%dma_wait3A_14 : memref<640x128xf32, #tpu.memory_space<hbm>>) dst(%dma_wait3A_11 : memref<640x128xf32, #tpu.memory_space<vmem_shared>>)
      tpu.yield
    }) : () -> ()
    %barrier3A = arith.constant 0 : index
    tpu.barrier barrier_id(%barrier3A)
    %scan3A = arith.constant 0 : i32
    %scan3A_1 = arith.constant 0 : i32
    %scan3A_2 = arith.constant 79 : i32
    %scan3A_3 = arith.addi %scan3A_1, %scan3A_2 : i32
    %scan3A_4 = arith.constant 1 : i32
    scf.for %scan3A_7 = %scan3A_1 to %scan3A_3 step %scan3A_4  : i32 {
      %mul3A_8 = arith.constant 10112 : i32
      %mul3A_9 = arith.muli %arg1, %mul3A_8 : i32
      %mul3A_10 = arith.constant 128 : i32
      %mul3A_11 = arith.muli %scan3A_7, %mul3A_10 : i32
      %add3A = arith.addi %mul3A_9, %mul3A_11 : i32
      "tpu.region"() ({
        %run_scoped3A = tpu.sem_alloc : memref<!tpu.dma_semaphore, #tpu.memory_space<semaphore_mem>>
        %dma_start3A = tpu.memref_slice %arg3[%add3A] : memref<161792xi32, #tpu.memory_space<hbm>> -> memref<128xi32, #tpu.memory_space<hbm>>
        %dma_start3A_12 = tpu.memref_slice %arg3[%add3A] : memref<161792xi32, #tpu.memory_space<hbm>> -> memref<128xi32, #tpu.memory_space<hbm>>
        tpu.enqueue_dma source(%dma_start3A_12 : memref<128xi32, #tpu.memory_space<hbm>>) target(%arg7 : memref<128xi32, #tpu.memory_space<vmem>>) target_semaphore(%run_scoped3A : memref<!tpu.dma_semaphore, #tpu.memory_space<semaphore_mem>>)
        %dma_wait3A = tpu.memref_slice %arg3[%add3A] : memref<161792xi32, #tpu.memory_space<hbm>> -> memref<128xi32, #tpu.memory_space<hbm>>
        %dma_wait3A_13 = tpu.memref_slice %arg3[%add3A] : memref<161792xi32, #tpu.memory_space<hbm>> -> memref<128xi32, #tpu.memory_space<hbm>>
        tpu.wait_dma2 semaphore(%run_scoped3A : memref<!tpu.dma_semaphore, #tpu.memory_space<semaphore_mem>>) src(%dma_wait3A_13 : memref<128xi32, #tpu.memory_space<hbm>>) dst(%arg7 : memref<128xi32, #tpu.memory_space<vmem>>)
        tpu.yield
      }) : () -> ()
      "tpu.region"() ({
        %run_scoped3A = tpu.sem_alloc : memref<!tpu.dma_semaphore, #tpu.memory_space<semaphore_mem>>
        %dma_start3A = arith.constant 0 : i32
        %dma_start3A_12 = tpu.memref_slice %arg2[%arg0, %add3A, %dma_start3A] : memref<2x161792x128xf32, #tpu.memory_space<hbm>> -> memref<1x128x128xf32, #tpu.memory_space<hbm>>
        %dma_start3A_13 = tpu.memref_squeeze %dma_start3A_12 : memref<1x128x128xf32, #tpu.memory_space<hbm>> -> memref<128x128xf32, #tpu.memory_space<hbm>>
        %dma_start3A_14 = arith.constant 0 : i32
        %dma_start3A_15 = tpu.memref_slice %arg2[%arg0, %add3A, %dma_start3A_14] : memref<2x161792x128xf32, #tpu.memory_space<hbm>> -> memref<1x128x128xf32, #tpu.memory_space<hbm>>
        %dma_start3A_16 = tpu.memref_squeeze %dma_start3A_15 : memref<1x128x128xf32, #tpu.memory_space<hbm>> -> memref<128x128xf32, #tpu.memory_space<hbm>>
        tpu.enqueue_dma source(%dma_start3A_16 : memref<128x128xf32, #tpu.memory_space<hbm>>) target(%arg8 : memref<128x128xf32, #tpu.memory_space<vmem>>) target_semaphore(%run_scoped3A : memref<!tpu.dma_semaphore, #tpu.memory_space<semaphore_mem>>)
        %dma_wait3A = arith.constant 0 : i32
        %dma_wait3A_17 = tpu.memref_slice %arg2[%arg0, %add3A, %dma_wait3A] : memref<2x161792x128xf32, #tpu.memory_space<hbm>> -> memref<1x128x128xf32, #tpu.memory_space<hbm>>
        %dma_wait3A_18 = tpu.memref_squeeze %dma_wait3A_17 : memref<1x128x128xf32, #tpu.memory_space<hbm>> -> memref<128x128xf32, #tpu.memory_space<hbm>>
        %dma_wait3A_19 = arith.constant 0 : i32
        %dma_wait3A_20 = tpu.memref_slice %arg2[%arg0, %add3A, %dma_wait3A_19] : memref<2x161792x128xf32, #tpu.memory_space<hbm>> -> memref<1x128x128xf32, #tpu.memory_space<hbm>>
        %dma_wait3A_21 = tpu.memref_squeeze %dma_wait3A_20 : memref<1x128x128xf32, #tpu.memory_space<hbm>> -> memref<128x128xf32, #tpu.memory_space<hbm>>
        tpu.wait_dma2 semaphore(%run_scoped3A : memref<!tpu.dma_semaphore, #tpu.memory_space<semaphore_mem>>) src(%dma_wait3A_21 : memref<128x128xf32, #tpu.memory_space<hbm>>) dst(%arg8 : memref<128x128xf32, #tpu.memory_space<vmem>>)
        tpu.yield
      }) : () -> ()
      "tpu.region"() ({
        %run_scoped3A = tpu.sem_alloc : memref<!tpu.dma_semaphore, #tpu.memory_space<semaphore_mem>>
        %dma_start3A = arith.constant 0 : i32
        %dma_start3A_12 = arith.constant 0 : i32
        %dma_start3A_13 = tpu.memref_slice %arg6[%dma_start3A, %dma_start3A_12] : memref<10240x128xf32, #tpu.memory_space<vmem_shared>> -> memref<10240x128xf32, #tpu.memory_space<vmem_shared>>
        tpu.enqueue_indirect_dma source(%arg8 : memref<128x128xf32, #tpu.memory_space<vmem>>) target(%dma_start3A_13 : memref<10240x128xf32, #tpu.memory_space<vmem_shared>>) offsets(%arg7 : memref<128xi32, #tpu.memory_space<vmem>>) semaphore(%run_scoped3A : memref<!tpu.dma_semaphore, #tpu.memory_space<semaphore_mem>>) {add = true}
        %dma_wait3A = arith.constant 0 : i32
        %dma_wait3A_14 = arith.constant 0 : i32
        %dma_wait3A_15 = tpu.memref_slice %arg6[%dma_wait3A, %dma_wait3A_14] : memref<10240x128xf32, #tpu.memory_space<vmem_shared>> -> memref<10240x128xf32, #tpu.memory_space<vmem_shared>>
        tpu.wait_indirect_dma semaphore(%run_scoped3A : memref<!tpu.dma_semaphore, #tpu.memory_space<semaphore_mem>>) src(%arg8 : memref<128x128xf32, #tpu.memory_space<vmem>>) dst(%dma_wait3A_15 : memref<10240x128xf32, #tpu.memory_space<vmem_shared>>)
        tpu.yield
      }) : () -> ()
    }
    %scan3A_5 = arith.constant 79 : i32
    %barrier3A_6 = arith.constant 0 : index
    tpu.barrier barrier_id(%barrier3A_6)
    "tpu.region"() ({
      %run_scoped3A = tpu.sem_alloc : memref<!tpu.dma_semaphore, #tpu.memory_space<semaphore_mem>>
      %dma_start3A = arith.constant 0 : i32
      %dma_start3A_7 = tpu.memref_slice %arg5[%arg0, %mul3A_0, %dma_start3A] : memref<2x10240x128xf32, #tpu.memory_space<hbm>> -> memref<1x640x128xf32, #tpu.memory_space<hbm>>
      %dma_start3A_8 = tpu.memref_squeeze %dma_start3A_7 : memref<1x640x128xf32, #tpu.memory_space<hbm>> -> memref<640x128xf32, #tpu.memory_space<hbm>>
      %dma_start3A_9 = arith.constant 0 : i32
      %dma_start3A_10 = tpu.memref_slice %arg6[%mul3A_0, %dma_start3A_9] : memref<10240x128xf32, #tpu.memory_space<vmem_shared>> -> memref<640x128xf32, #tpu.memory_space<vmem_shared>>
      tpu.enqueue_dma source(%dma_start3A_10 : memref<640x128xf32, #tpu.memory_space<vmem_shared>>) target(%dma_start3A_8 : memref<640x128xf32, #tpu.memory_space<hbm>>) target_semaphore(%run_scoped3A : memref<!tpu.dma_semaphore, #tpu.memory_space<semaphore_mem>>)
      %dma_wait3A = arith.constant 0 : i32
      %dma_wait3A_11 = tpu.memref_slice %arg5[%arg0, %mul3A_0, %dma_wait3A] : memref<2x10240x128xf32, #tpu.memory_space<hbm>> -> memref<1x640x128xf32, #tpu.memory_space<hbm>>
      %dma_wait3A_12 = tpu.memref_squeeze %dma_wait3A_11 : memref<1x640x128xf32, #tpu.memory_space<hbm>> -> memref<640x128xf32, #tpu.memory_space<hbm>>
      %dma_wait3A_13 = arith.constant 0 : i32
      %dma_wait3A_14 = tpu.memref_slice %arg6[%mul3A_0, %dma_wait3A_13] : memref<10240x128xf32, #tpu.memory_space<vmem_shared>> -> memref<640x128xf32, #tpu.memory_space<vmem_shared>>
      tpu.wait_dma2 semaphore(%run_scoped3A : memref<!tpu.dma_semaphore, #tpu.memory_space<semaphore_mem>>) src(%dma_wait3A_14 : memref<640x128xf32, #tpu.memory_space<vmem_shared>>) dst(%dma_wait3A_12 : memref<640x128xf32, #tpu.memory_space<hbm>>)
      tpu.yield
    }) : () -> ()
    return
  }
}

module attributes {stable_mosaic.version = 14 : i64} {
  func.func @_proj_body(%arg0: i32, %arg1: memref<2000x31xf32, #tpu.memory_space<vmem>>, %arg2: memref<31x256xf32, #tpu.memory_space<vmem>>, %arg3: memref<31x256xf32, #tpu.memory_space<vmem>>, %arg4: memref<31x256xf32, #tpu.memory_space<vmem>>, %arg5: memref<31x256xf32, #tpu.memory_space<vmem>>, %arg6: memref<256x12xf32, #tpu.memory_space<vmem>>, %arg7: memref<2x2000x128xf32, #tpu.memory_space<vmem>>, %arg8: memref<2x2000x128xf32, #tpu.memory_space<vmem>>, %arg9: memref<2x2000x128xf32, #tpu.memory_space<vmem>>, %arg10: memref<2x2000x128xf32, #tpu.memory_space<vmem>>, %arg11: memref<2x2000x128xf32, #tpu.memory_space<vmem>>) attributes {dimension_semantics = [#tpu.dimension_semantics<arbitrary>], iteration_bounds = array<i64: 5>, scalar_prefetch = 0 : i64, scratch_operands = 0 : i64, tpu.core_type = #tpu.core_type<tc>, window_params = [{transform_indices = @transform_0, window_bounds = array<i64: 2000, 31>}, {pipeline_mode = #tpu.pipeline_mode<synchronous>, transform_indices = @transform_1, window_bounds = array<i64: 31, 256>}, {pipeline_mode = #tpu.pipeline_mode<synchronous>, transform_indices = @transform_2, window_bounds = array<i64: 31, 256>}, {pipeline_mode = #tpu.pipeline_mode<synchronous>, transform_indices = @transform_3, window_bounds = array<i64: 31, 256>}, {pipeline_mode = #tpu.pipeline_mode<synchronous>, transform_indices = @transform_4, window_bounds = array<i64: 31, 256>}, {pipeline_mode = #tpu.pipeline_mode<synchronous>, transform_indices = @transform_5, window_bounds = array<i64: 256, 12>}, {transform_indices = @transform_6, window_bounds = array<i64: 2, 2000, 128>}, {transform_indices = @transform_7, window_bounds = array<i64: 2, 2000, 128>}, {transform_indices = @transform_8, window_bounds = array<i64: 2, 2000, 128>}, {transform_indices = @transform_9, window_bounds = array<i64: 2, 2000, 128>}, {transform_indices = @transform_10, window_bounds = array<i64: 2, 2000, 128>}]} {
    %get3A = arith.constant 0 : index
    %get3A_0 = arith.constant 0 : index
    %get3A_1 = vector.load %arg1[%get3A, %get3A_0] : memref<2000x31xf32, #tpu.memory_space<vmem>>, vector<2000x31xf32>
    %get3A_2 = arith.constant 0 : index
    %get3A_3 = arith.constant 0 : index
    %get3A_4 = vector.load %arg2[%get3A_2, %get3A_3] : memref<31x256xf32, #tpu.memory_space<vmem>>, vector<31x256xf32>
    %dot_general3A = arith.constant dense<0.000000e+00> : vector<2000x256xf32>
    %dot_general3A_5 = tpu.matmul %get3A_1, %get3A_4, %dot_general3A {dimension_numbers = #tpu.dot_dimension_numbers<[1], [0], [0], [1], [0, 0, 1, 1], [], []>, precision = #tpu.contract_precision<fp32>, transpose_lhs_hint = false} : vector<2000x31xf32>, vector<31x256xf32>, vector<2000x256xf32> -> vector<2000x256xf32>
    %mul3A = arith.constant 0.176776692 : f32
    %mul3A_6 = vector.broadcast %mul3A : f32 to vector<2000x256xf32>
    %mul3A_7 = arith.mulf %dot_general3A_5, %mul3A_6 : vector<2000x256xf32>
    %get3A_8 = arith.constant 0 : index
    %get3A_9 = arith.constant 0 : index
    %get3A_10 = vector.load %arg3[%get3A_8, %get3A_9] : memref<31x256xf32, #tpu.memory_space<vmem>>, vector<31x256xf32>
    %dot_general3A_11 = arith.constant dense<0.000000e+00> : vector<2000x256xf32>
    %dot_general3A_12 = tpu.matmul %get3A_1, %get3A_10, %dot_general3A_11 {dimension_numbers = #tpu.dot_dimension_numbers<[1], [0], [0], [1], [0, 0, 1, 1], [], []>, precision = #tpu.contract_precision<fp32>, transpose_lhs_hint = false} : vector<2000x31xf32>, vector<31x256xf32>, vector<2000x256xf32> -> vector<2000x256xf32>
    %get3A_13 = arith.constant 0 : index
    %get3A_14 = arith.constant 0 : index
    %get3A_15 = vector.load %arg4[%get3A_13, %get3A_14] : memref<31x256xf32, #tpu.memory_space<vmem>>, vector<31x256xf32>
    %dot_general3A_16 = arith.constant dense<0.000000e+00> : vector<2000x256xf32>
    %dot_general3A_17 = tpu.matmul %get3A_1, %get3A_15, %dot_general3A_16 {dimension_numbers = #tpu.dot_dimension_numbers<[1], [0], [0], [1], [0, 0, 1, 1], [], []>, precision = #tpu.contract_precision<fp32>, transpose_lhs_hint = false} : vector<2000x31xf32>, vector<31x256xf32>, vector<2000x256xf32> -> vector<2000x256xf32>
    %get3A_18 = arith.constant 0 : index
    %get3A_19 = arith.constant 0 : index
    %get3A_20 = vector.load %arg5[%get3A_18, %get3A_19] : memref<31x256xf32, #tpu.memory_space<vmem>>, vector<31x256xf32>
    %dot_general3A_21 = arith.constant dense<0.000000e+00> : vector<2000x256xf32>
    %dot_general3A_22 = tpu.matmul %get3A_1, %get3A_20, %dot_general3A_21 {dimension_numbers = #tpu.dot_dimension_numbers<[1], [0], [0], [1], [0, 0, 1, 1], [], []>, precision = #tpu.contract_precision<fp32>, transpose_lhs_hint = false} : vector<2000x31xf32>, vector<31x256xf32>, vector<2000x256xf32> -> vector<2000x256xf32>
    %slice3A = vector.extract_strided_slice %mul3A_7 {offsets = [0, 0], sizes = [2000, 128], strides = [1, 1]} : vector<2000x256xf32> to vector<2000x128xf32>
    %swap3A = arith.constant 0 : index
    %swap3A_23 = arith.constant 0 : index
    %swap3A_24 = arith.constant 0 : index
    %swap3A_25 = vector.load %arg7[%swap3A, %swap3A_23, %swap3A_24] : memref<2x2000x128xf32, #tpu.memory_space<vmem>>, vector<1x2000x128xf32>
    %swap3A_26 = vector.shape_cast %swap3A_25 : vector<1x2000x128xf32> to vector<2000x128xf32>
    %swap3A_27 = vector.shape_cast %slice3A : vector<2000x128xf32> to vector<1x2000x128xf32>
    tpu.vector_store %arg7[%swap3A, %swap3A_23, %swap3A_24], %swap3A_27 {strides = array<i32>} : memref<2x2000x128xf32, #tpu.memory_space<vmem>>, vector<1x2000x128xf32>,
    %slice3A_28 = vector.extract_strided_slice %dot_general3A_12 {offsets = [0, 0], sizes = [2000, 128], strides = [1, 1]} : vector<2000x256xf32> to vector<2000x128xf32>
    %swap3A_29 = arith.constant 0 : index
    %swap3A_30 = arith.constant 0 : index
    %swap3A_31 = arith.constant 0 : index
    %swap3A_32 = vector.load %arg8[%swap3A_29, %swap3A_30, %swap3A_31] : memref<2x2000x128xf32, #tpu.memory_space<vmem>>, vector<1x2000x128xf32>
    %swap3A_33 = vector.shape_cast %swap3A_32 : vector<1x2000x128xf32> to vector<2000x128xf32>
    %swap3A_34 = vector.shape_cast %slice3A_28 : vector<2000x128xf32> to vector<1x2000x128xf32>
    tpu.vector_store %arg8[%swap3A_29, %swap3A_30, %swap3A_31], %swap3A_34 {strides = array<i32>} : memref<2x2000x128xf32, #tpu.memory_space<vmem>>, vector<1x2000x128xf32>,
    %slice3A_35 = vector.extract_strided_slice %dot_general3A_17 {offsets = [0, 0], sizes = [2000, 128], strides = [1, 1]} : vector<2000x256xf32> to vector<2000x128xf32>
    %swap3A_36 = arith.constant 0 : index
    %swap3A_37 = arith.constant 0 : index
    %swap3A_38 = arith.constant 0 : index
    %swap3A_39 = vector.load %arg9[%swap3A_36, %swap3A_37, %swap3A_38] : memref<2x2000x128xf32, #tpu.memory_space<vmem>>, vector<1x2000x128xf32>
    %swap3A_40 = vector.shape_cast %swap3A_39 : vector<1x2000x128xf32> to vector<2000x128xf32>
    %swap3A_41 = vector.shape_cast %slice3A_35 : vector<2000x128xf32> to vector<1x2000x128xf32>
    tpu.vector_store %arg9[%swap3A_36, %swap3A_37, %swap3A_38], %swap3A_41 {strides = array<i32>} : memref<2x2000x128xf32, #tpu.memory_space<vmem>>, vector<1x2000x128xf32>,
    %slice3A_42 = vector.extract_strided_slice %dot_general3A_22 {offsets = [0, 0], sizes = [2000, 128], strides = [1, 1]} : vector<2000x256xf32> to vector<2000x128xf32>
    %swap3A_43 = arith.constant 0 : index
    %swap3A_44 = arith.constant 0 : index
    %swap3A_45 = arith.constant 0 : index
    %swap3A_46 = vector.load %arg10[%swap3A_43, %swap3A_44, %swap3A_45] : memref<2x2000x128xf32, #tpu.memory_space<vmem>>, vector<1x2000x128xf32>
    %swap3A_47 = vector.shape_cast %swap3A_46 : vector<1x2000x128xf32> to vector<2000x128xf32>
    %swap3A_48 = vector.shape_cast %slice3A_42 : vector<2000x128xf32> to vector<1x2000x128xf32>
    tpu.vector_store %arg10[%swap3A_43, %swap3A_44, %swap3A_45], %swap3A_48 {strides = array<i32>} : memref<2x2000x128xf32, #tpu.memory_space<vmem>>, vector<1x2000x128xf32>,
    %slice3A_49 = vector.extract_strided_slice %mul3A_7 {offsets = [0, 128], sizes = [2000, 128], strides = [1, 1]} : vector<2000x256xf32> to vector<2000x128xf32>
    %swap3A_50 = arith.constant 1 : index
    %swap3A_51 = arith.constant 0 : index
    %swap3A_52 = arith.constant 0 : index
    %swap3A_53 = vector.load %arg7[%swap3A_50, %swap3A_51, %swap3A_52] : memref<2x2000x128xf32, #tpu.memory_space<vmem>>, vector<1x2000x128xf32>
    %swap3A_54 = vector.shape_cast %swap3A_53 : vector<1x2000x128xf32> to vector<2000x128xf32>
    %swap3A_55 = vector.shape_cast %slice3A_49 : vector<2000x128xf32> to vector<1x2000x128xf32>
    tpu.vector_store %arg7[%swap3A_50, %swap3A_51, %swap3A_52], %swap3A_55 {strides = array<i32>} : memref<2x2000x128xf32, #tpu.memory_space<vmem>>, vector<1x2000x128xf32>,
    %slice3A_56 = vector.extract_strided_slice %dot_general3A_12 {offsets = [0, 128], sizes = [2000, 128], strides = [1, 1]} : vector<2000x256xf32> to vector<2000x128xf32>
    %swap3A_57 = arith.constant 1 : index
    %swap3A_58 = arith.constant 0 : index
    %swap3A_59 = arith.constant 0 : index
    %swap3A_60 = vector.load %arg8[%swap3A_57, %swap3A_58, %swap3A_59] : memref<2x2000x128xf32, #tpu.memory_space<vmem>>, vector<1x2000x128xf32>
    %swap3A_61 = vector.shape_cast %swap3A_60 : vector<1x2000x128xf32> to vector<2000x128xf32>
    %swap3A_62 = vector.shape_cast %slice3A_56 : vector<2000x128xf32> to vector<1x2000x128xf32>
    tpu.vector_store %arg8[%swap3A_57, %swap3A_58, %swap3A_59], %swap3A_62 {strides = array<i32>} : memref<2x2000x128xf32, #tpu.memory_space<vmem>>, vector<1x2000x128xf32>,
    %slice3A_63 = vector.extract_strided_slice %dot_general3A_17 {offsets = [0, 128], sizes = [2000, 128], strides = [1, 1]} : vector<2000x256xf32> to vector<2000x128xf32>
    %swap3A_64 = arith.constant 1 : index
    %swap3A_65 = arith.constant 0 : index
    %swap3A_66 = arith.constant 0 : index
    %swap3A_67 = vector.load %arg9[%swap3A_64, %swap3A_65, %swap3A_66] : memref<2x2000x128xf32, #tpu.memory_space<vmem>>, vector<1x2000x128xf32>
    %swap3A_68 = vector.shape_cast %swap3A_67 : vector<1x2000x128xf32> to vector<2000x128xf32>
    %swap3A_69 = vector.shape_cast %slice3A_63 : vector<2000x128xf32> to vector<1x2000x128xf32>
    tpu.vector_store %arg9[%swap3A_64, %swap3A_65, %swap3A_66], %swap3A_69 {strides = array<i32>} : memref<2x2000x128xf32, #tpu.memory_space<vmem>>, vector<1x2000x128xf32>,
    %slice3A_70 = vector.extract_strided_slice %dot_general3A_22 {offsets = [0, 128], sizes = [2000, 128], strides = [1, 1]} : vector<2000x256xf32> to vector<2000x128xf32>
    %swap3A_71 = arith.constant 1 : index
    %swap3A_72 = arith.constant 0 : index
    %swap3A_73 = arith.constant 0 : index
    %swap3A_74 = vector.load %arg10[%swap3A_71, %swap3A_72, %swap3A_73] : memref<2x2000x128xf32, #tpu.memory_space<vmem>>, vector<1x2000x128xf32>
    %swap3A_75 = vector.shape_cast %swap3A_74 : vector<1x2000x128xf32> to vector<2000x128xf32>
    %swap3A_76 = vector.shape_cast %slice3A_70 : vector<2000x128xf32> to vector<1x2000x128xf32>
    tpu.vector_store %arg10[%swap3A_71, %swap3A_72, %swap3A_73], %swap3A_76 {strides = array<i32>} : memref<2x2000x128xf32, #tpu.memory_space<vmem>>, vector<1x2000x128xf32>,
    %get3A_77 = arith.constant 0 : index
    %get3A_78 = arith.constant 0 : index
    %get3A_79 = vector.load %arg6[%get3A_77, %get3A_78] : memref<256x12xf32, #tpu.memory_space<vmem>>, vector<256x12xf32>
    %slice3A_80 = vector.extract_strided_slice %mul3A_7 {offsets = [0, 0], sizes = [2000, 32], strides = [1, 1]} : vector<2000x256xf32> to vector<2000x32xf32>
    %slice3A_81 = vector.extract_strided_slice %get3A_79 {offsets = [0, 0], sizes = [32, 12], strides = [1, 1]} : vector<256x12xf32> to vector<32x12xf32>
    %dot_general3A_82 = arith.constant dense<0.000000e+00> : vector<2000x12xf32>
    %dot_general3A_83 = tpu.matmul %slice3A_80, %slice3A_81, %dot_general3A_82 {dimension_numbers = #tpu.dot_dimension_numbers<[1], [0], [0], [1], [0, 0, 1, 1], [], []>, precision = #tpu.contract_precision<fp32>, transpose_lhs_hint = false} : vector<2000x32xf32>, vector<32x12xf32>, vector<2000x12xf32> -> vector<2000x12xf32>
    %slice3A_84 = vector.extract_strided_slice %mul3A_7 {offsets = [0, 32], sizes = [2000, 32], strides = [1, 1]} : vector<2000x256xf32> to vector<2000x32xf32>
    %slice3A_85 = vector.extract_strided_slice %get3A_79 {offsets = [32, 0], sizes = [32, 12], strides = [1, 1]} : vector<256x12xf32> to vector<32x12xf32>
    %dot_general3A_86 = arith.constant dense<0.000000e+00> : vector<2000x12xf32>
    %dot_general3A_87 = tpu.matmul %slice3A_84, %slice3A_85, %dot_general3A_86 {dimension_numbers = #tpu.dot_dimension_numbers<[1], [0], [0], [1], [0, 0, 1, 1], [], []>, precision = #tpu.contract_precision<fp32>, transpose_lhs_hint = false} : vector<2000x32xf32>, vector<32x12xf32>, vector<2000x12xf32> -> vector<2000x12xf32>
    %slice3A_88 = vector.extract_strided_slice %mul3A_7 {offsets = [0, 64], sizes = [2000, 32], strides = [1, 1]} : vector<2000x256xf32> to vector<2000x32xf32>
    %slice3A_89 = vector.extract_strided_slice %get3A_79 {offsets = [64, 0], sizes = [32, 12], strides = [1, 1]} : vector<256x12xf32> to vector<32x12xf32>
    %dot_general3A_90 = arith.constant dense<0.000000e+00> : vector<2000x12xf32>
    %dot_general3A_91 = tpu.matmul %slice3A_88, %slice3A_89, %dot_general3A_90 {dimension_numbers = #tpu.dot_dimension_numbers<[1], [0], [0], [1], [0, 0, 1, 1], [], []>, precision = #tpu.contract_precision<fp32>, transpose_lhs_hint = false} : vector<2000x32xf32>, vector<32x12xf32>, vector<2000x12xf32> -> vector<2000x12xf32>
    %slice3A_92 = vector.extract_strided_slice %mul3A_7 {offsets = [0, 96], sizes = [2000, 32], strides = [1, 1]} : vector<2000x256xf32> to vector<2000x32xf32>
    %slice3A_93 = vector.extract_strided_slice %get3A_79 {offsets = [96, 0], sizes = [32, 12], strides = [1, 1]} : vector<256x12xf32> to vector<32x12xf32>
    %dot_general3A_94 = arith.constant dense<0.000000e+00> : vector<2000x12xf32>
    %dot_general3A_95 = tpu.matmul %slice3A_92, %slice3A_93, %dot_general3A_94 {dimension_numbers = #tpu.dot_dimension_numbers<[1], [0], [0], [1], [0, 0, 1, 1], [], []>, precision = #tpu.contract_precision<fp32>, transpose_lhs_hint = false} : vector<2000x32xf32>, vector<32x12xf32>, vector<2000x12xf32> -> vector<2000x12xf32>
    %broadcast_in_dim3A = arith.constant 0.000000e+00 : f32
    %broadcast_in_dim3A_96 = vector.broadcast %broadcast_in_dim3A : f32 to vector<2000x80xf32>
    %concatenate3A = tpu.concatenate %dot_general3A_83, %dot_general3A_87, %dot_general3A_91, %dot_general3A_95, %broadcast_in_dim3A_96 in 1 : vector<2000x12xf32>, vector<2000x12xf32>, vector<2000x12xf32>, vector<2000x12xf32>, vector<2000x80xf32> -> vector<2000x128xf32>
    %swap3A_97 = arith.constant 0 : index
    %swap3A_98 = arith.constant 0 : index
    %swap3A_99 = arith.constant 0 : index
    %swap3A_100 = vector.load %arg11[%swap3A_97, %swap3A_98, %swap3A_99] : memref<2x2000x128xf32, #tpu.memory_space<vmem>>, vector<1x2000x128xf32>
    %swap3A_101 = vector.shape_cast %swap3A_100 : vector<1x2000x128xf32> to vector<2000x128xf32>
    %swap3A_102 = vector.shape_cast %concatenate3A : vector<2000x128xf32> to vector<1x2000x128xf32>
    tpu.vector_store %arg11[%swap3A_97, %swap3A_98, %swap3A_99], %swap3A_102 {strides = array<i32>} : memref<2x2000x128xf32, #tpu.memory_space<vmem>>, vector<1x2000x128xf32>,
    %slice3A_103 = vector.extract_strided_slice %mul3A_7 {offsets = [0, 128], sizes = [2000, 32], strides = [1, 1]} : vector<2000x256xf32> to vector<2000x32xf32>
    %slice3A_104 = vector.extract_strided_slice %get3A_79 {offsets = [128, 0], sizes = [32, 12], strides = [1, 1]} : vector<256x12xf32> to vector<32x12xf32>
    %dot_general3A_105 = arith.constant dense<0.000000e+00> : vector<2000x12xf32>
    %dot_general3A_106 = tpu.matmul %slice3A_103, %slice3A_104, %dot_general3A_105 {dimension_numbers = #tpu.dot_dimension_numbers<[1], [0], [0], [1], [0, 0, 1, 1], [], []>, precision = #tpu.contract_precision<fp32>, transpose_lhs_hint = false} : vector<2000x32xf32>, vector<32x12xf32>, vector<2000x12xf32> -> vector<2000x12xf32>
    %slice3A_107 = vector.extract_strided_slice %mul3A_7 {offsets = [0, 160], sizes = [2000, 32], strides = [1, 1]} : vector<2000x256xf32> to vector<2000x32xf32>
    %slice3A_108 = vector.extract_strided_slice %get3A_79 {offsets = [160, 0], sizes = [32, 12], strides = [1, 1]} : vector<256x12xf32> to vector<32x12xf32>
    %dot_general3A_109 = arith.constant dense<0.000000e+00> : vector<2000x12xf32>
    %dot_general3A_110 = tpu.matmul %slice3A_107, %slice3A_108, %dot_general3A_109 {dimension_numbers = #tpu.dot_dimension_numbers<[1], [0], [0], [1], [0, 0, 1, 1], [], []>, precision = #tpu.contract_precision<fp32>, transpose_lhs_hint = false} : vector<2000x32xf32>, vector<32x12xf32>, vector<2000x12xf32> -> vector<2000x12xf32>
    %slice3A_111 = vector.extract_strided_slice %mul3A_7 {offsets = [0, 192], sizes = [2000, 32], strides = [1, 1]} : vector<2000x256xf32> to vector<2000x32xf32>
    %slice3A_112 = vector.extract_strided_slice %get3A_79 {offsets = [192, 0], sizes = [32, 12], strides = [1, 1]} : vector<256x12xf32> to vector<32x12xf32>
    %dot_general3A_113 = arith.constant dense<0.000000e+00> : vector<2000x12xf32>
    %dot_general3A_114 = tpu.matmul %slice3A_111, %slice3A_112, %dot_general3A_113 {dimension_numbers = #tpu.dot_dimension_numbers<[1], [0], [0], [1], [0, 0, 1, 1], [], []>, precision = #tpu.contract_precision<fp32>, transpose_lhs_hint = false} : vector<2000x32xf32>, vector<32x12xf32>, vector<2000x12xf32> -> vector<2000x12xf32>
    %slice3A_115 = vector.extract_strided_slice %mul3A_7 {offsets = [0, 224], sizes = [2000, 32], strides = [1, 1]} : vector<2000x256xf32> to vector<2000x32xf32>
    %slice3A_116 = vector.extract_strided_slice %get3A_79 {offsets = [224, 0], sizes = [32, 12], strides = [1, 1]} : vector<256x12xf32> to vector<32x12xf32>
    %dot_general3A_117 = arith.constant dense<0.000000e+00> : vector<2000x12xf32>
    %dot_general3A_118 = tpu.matmul %slice3A_115, %slice3A_116, %dot_general3A_117 {dimension_numbers = #tpu.dot_dimension_numbers<[1], [0], [0], [1], [0, 0, 1, 1], [], []>, precision = #tpu.contract_precision<fp32>, transpose_lhs_hint = false} : vector<2000x32xf32>, vector<32x12xf32>, vector<2000x12xf32> -> vector<2000x12xf32>
    %broadcast_in_dim3A_119 = arith.constant 0.000000e+00 : f32
    %broadcast_in_dim3A_120 = vector.broadcast %broadcast_in_dim3A_119 : f32 to vector<2000x80xf32>
    %concatenate3A_121 = tpu.concatenate %dot_general3A_106, %dot_general3A_110, %dot_general3A_114, %dot_general3A_118, %broadcast_in_dim3A_120 in 1 : vector<2000x12xf32>, vector<2000x12xf32>, vector<2000x12xf32>, vector<2000x12xf32>, vector<2000x80xf32> -> vector<2000x128xf32>
    %swap3A_122 = arith.constant 1 : index
    %swap3A_123 = arith.constant 0 : index
    %swap3A_124 = arith.constant 0 : index
    %swap3A_125 = vector.load %arg11[%swap3A_122, %swap3A_123, %swap3A_124] : memref<2x2000x128xf32, #tpu.memory_space<vmem>>, vector<1x2000x128xf32>
    %swap3A_126 = vector.shape_cast %swap3A_125 : vector<1x2000x128xf32> to vector<2000x128xf32>
    %swap3A_127 = vector.shape_cast %concatenate3A_121 : vector<2000x128xf32> to vector<1x2000x128xf32>
    tpu.vector_store %arg11[%swap3A_122, %swap3A_123, %swap3A_124], %swap3A_127 {strides = array<i32>} : memref<2x2000x128xf32, #tpu.memory_space<vmem>>, vector<1x2000x128xf32>,
    return
  }
  func.func @transform_0(%arg0: i32) -> (i32, i32) {
    %c0_i32 = arith.constant 0 : i32
    %c0_i32_0 = arith.constant 0 : i32
    return %arg0, %c0_i32 : i32, i32
  }
  func.func @transform_1(%arg0: i32) -> (i32, i32) {
    %c0_i32 = arith.constant 0 : i32
    %c0_i32_0 = arith.constant 0 : i32
    %c0_i32_1 = arith.constant 0 : i32
    return %c0_i32, %c0_i32_0 : i32, i32
  }
  func.func @transform_2(%arg0: i32) -> (i32, i32) {
    %c0_i32 = arith.constant 0 : i32
    %c0_i32_0 = arith.constant 0 : i32
    %c0_i32_1 = arith.constant 0 : i32
    return %c0_i32, %c0_i32_0 : i32, i32
  }
  func.func @transform_3(%arg0: i32) -> (i32, i32) {
    %c0_i32 = arith.constant 0 : i32
    %c0_i32_0 = arith.constant 0 : i32
    %c0_i32_1 = arith.constant 0 : i32
    return %c0_i32, %c0_i32_0 : i32, i32
  }
  func.func @transform_4(%arg0: i32) -> (i32, i32) {
    %c0_i32 = arith.constant 0 : i32
    %c0_i32_0 = arith.constant 0 : i32
    %c0_i32_1 = arith.constant 0 : i32
    return %c0_i32, %c0_i32_0 : i32, i32
  }
  func.func @transform_5(%arg0: i32) -> (i32, i32) {
    %c0_i32 = arith.constant 0 : i32
    %c0_i32_0 = arith.constant 0 : i32
    %c0_i32_1 = arith.constant 0 : i32
    return %c0_i32, %c0_i32_0 : i32, i32
  }
  func.func @transform_6(%arg0: i32) -> (i32, i32, i32) {
    %c0_i32 = arith.constant 0 : i32
    %c0_i32_0 = arith.constant 0 : i32
    %c0_i32_1 = arith.constant 0 : i32
    return %c0_i32, %arg0, %c0_i32_0 : i32, i32, i32
  }
  func.func @transform_7(%arg0: i32) -> (i32, i32, i32) {
    %c0_i32 = arith.constant 0 : i32
    %c0_i32_0 = arith.constant 0 : i32
    %c0_i32_1 = arith.constant 0 : i32
    return %c0_i32, %arg0, %c0_i32_0 : i32, i32, i32
  }
  func.func @transform_8(%arg0: i32) -> (i32, i32, i32) {
    %c0_i32 = arith.constant 0 : i32
    %c0_i32_0 = arith.constant 0 : i32
    %c0_i32_1 = arith.constant 0 : i32
    return %c0_i32, %arg0, %c0_i32_0 : i32, i32, i32
  }
  func.func @transform_9(%arg0: i32) -> (i32, i32, i32) {
    %c0_i32 = arith.constant 0 : i32
    %c0_i32_0 = arith.constant 0 : i32
    %c0_i32_1 = arith.constant 0 : i32
    return %c0_i32, %arg0, %c0_i32_0 : i32, i32, i32
  }
  func.func @transform_10(%arg0: i32) -> (i32, i32, i32) {
    %c0_i32 = arith.constant 0 : i32
    %c0_i32_0 = arith.constant 0 : i32
    %c0_i32_1 = arith.constant 0 : i32
    return %c0_i32, %arg0, %c0_i32_0 : i32, i32, i32
  }
}

module attributes {stable_mosaic.version = 14 : i64} {
  func.func @_alpha_body(%arg0: i32, %arg1: memref<2x2048x128xf32, #tpu.memory_space<vmem>>, %arg2: memref<2x2048x128xf32, #tpu.memory_space<vmem>>, %arg3: memref<2x2048x128xf32, #tpu.memory_space<vmem>>, %arg4: memref<2048x12xf32, #tpu.memory_space<vmem>>, %arg5: memref<2x2048x4xf32, #tpu.memory_space<vmem>>, %arg6: memref<1x2x4xf32, #tpu.memory_space<vmem>>) attributes {dimension_semantics = [#tpu.dimension_semantics<arbitrary>], iteration_bounds = array<i64: 79>, scalar_prefetch = 0 : i64, scratch_operands = 0 : i64, tpu.core_type = #tpu.core_type<tc>, window_params = [{transform_indices = @transform_0, window_bounds = array<i64: 2, 2048, 128>}, {transform_indices = @transform_1, window_bounds = array<i64: 2, 2048, 128>}, {transform_indices = @transform_2, window_bounds = array<i64: 2, 2048, 128>}, {transform_indices = @transform_3, window_bounds = array<i64: 2048, 12>}, {transform_indices = @transform_4, window_bounds = array<i64: 2, 2048, 4>}, {transform_indices = @transform_5, window_bounds = array<i64: 1, 2, 4>}]} {
    %iota3A = tpu.iota {dimensions = array<i32: 0>} : vector<128x4xi32>
    %jit3A = arith.constant 32 : i32
    %div3A = vector.broadcast %jit3A : i32 to vector<128x4xi32>
    %div3A_0 = arith.divsi %iota3A, %div3A : vector<128x4xi32>
    %sign3A = arith.constant 0 : i32
    %sign3A_1 = vector.broadcast %sign3A : i32 to vector<128x4xi32>
    %sign3A_2 = arith.cmpi sgt, %iota3A, %sign3A_1 : vector<128x4xi32>
    %sign3A_3 = arith.extui %sign3A_2 : vector<128x4xi1> to vector<128x4xi32>
    %sign3A_4 = arith.constant 0 : i32
    %sign3A_5 = vector.broadcast %sign3A_4 : i32 to vector<128x4xi32>
    %sign3A_6 = arith.cmpi slt, %iota3A, %sign3A_5 : vector<128x4xi32>
    %sign3A_7 = arith.extui %sign3A_6 : vector<128x4xi1> to vector<128x4xi32>
    %sign3A_8 = arith.subi %sign3A_3, %sign3A_7 : vector<128x4xi32>
    %sign3A_9 = arith.constant 0 : i32
    %sign3A_10 = arith.cmpi sgt, %jit3A, %sign3A_9 : i32
    %sign3A_11 = arith.extui %sign3A_10 : i1 to i32
    %sign3A_12 = arith.constant 0 : i32
    %sign3A_13 = arith.cmpi slt, %jit3A, %sign3A_12 : i32
    %sign3A_14 = arith.extui %sign3A_13 : i1 to i32
    %sign3A_15 = arith.subi %sign3A_11, %sign3A_14 : i32
    %ne3A = vector.broadcast %sign3A_15 : i32 to vector<128x4xi32>
    %ne3A_16 = arith.cmpi ne, %sign3A_8, %ne3A : vector<128x4xi32>
    %rem3A = vector.broadcast %jit3A : i32 to vector<128x4xi32>
    %rem3A_17 = arith.remsi %iota3A, %rem3A : vector<128x4xi32>
    %ne3A_18 = arith.constant 0 : i32
    %ne3A_19 = vector.broadcast %ne3A_18 : i32 to vector<128x4xi32>
    %ne3A_20 = arith.cmpi ne, %rem3A_17, %ne3A_19 : vector<128x4xi32>
    %and3A = arith.andi %ne3A_16, %ne3A_20 : vector<128x4xi1>
    %sub3A = arith.constant 1 : i32
    %sub3A_21 = vector.broadcast %sub3A : i32 to vector<128x4xi32>
    %sub3A_22 = arith.subi %div3A_0, %sub3A_21 : vector<128x4xi32>
    %select_n3A = arith.select %and3A, %sub3A_22, %div3A_0 : vector<128x4xi1>, vector<128x4xi32>
    %iota3A_23 = tpu.iota {dimensions = array<i32: 1>} : vector<128x4xi32>
    %eq3A = arith.cmpi eq, %select_n3A, %iota3A_23 : vector<128x4xi32>
    %convert_element_type3A = arith.extui %eq3A : vector<128x4xi1> to vector<128x4xi32>
    %convert_element_type3A_24 = arith.sitofp %convert_element_type3A : vector<128x4xi32> to vector<128x4xf32>
    %iota3A_25 = tpu.iota {dimensions = array<i32: 0>} : vector<48x4xi32>
    %jit3A_26 = arith.constant 12 : i32
    %div3A_27 = vector.broadcast %jit3A_26 : i32 to vector<48x4xi32>
    %div3A_28 = arith.divsi %iota3A_25, %div3A_27 : vector<48x4xi32>
    %sign3A_29 = arith.constant 0 : i32
    %sign3A_30 = vector.broadcast %sign3A_29 : i32 to vector<48x4xi32>
    %sign3A_31 = arith.cmpi sgt, %iota3A_25, %sign3A_30 : vector<48x4xi32>
    %sign3A_32 = arith.extui %sign3A_31 : vector<48x4xi1> to vector<48x4xi32>
    %sign3A_33 = arith.constant 0 : i32
    %sign3A_34 = vector.broadcast %sign3A_33 : i32 to vector<48x4xi32>
    %sign3A_35 = arith.cmpi slt, %iota3A_25, %sign3A_34 : vector<48x4xi32>
    %sign3A_36 = arith.extui %sign3A_35 : vector<48x4xi1> to vector<48x4xi32>
    %sign3A_37 = arith.subi %sign3A_32, %sign3A_36 : vector<48x4xi32>
    %sign3A_38 = arith.constant 0 : i32
    %sign3A_39 = arith.cmpi sgt, %jit3A_26, %sign3A_38 : i32
    %sign3A_40 = arith.extui %sign3A_39 : i1 to i32
    %sign3A_41 = arith.constant 0 : i32
    %sign3A_42 = arith.cmpi slt, %jit3A_26, %sign3A_41 : i32
    %sign3A_43 = arith.extui %sign3A_42 : i1 to i32
    %sign3A_44 = arith.subi %sign3A_40, %sign3A_43 : i32
    %ne3A_45 = vector.broadcast %sign3A_44 : i32 to vector<48x4xi32>
    %ne3A_46 = arith.cmpi ne, %sign3A_37, %ne3A_45 : vector<48x4xi32>
    %rem3A_47 = vector.broadcast %jit3A_26 : i32 to vector<48x4xi32>
    %rem3A_48 = arith.remsi %iota3A_25, %rem3A_47 : vector<48x4xi32>
    %ne3A_49 = arith.constant 0 : i32
    %ne3A_50 = vector.broadcast %ne3A_49 : i32 to vector<48x4xi32>
    %ne3A_51 = arith.cmpi ne, %rem3A_48, %ne3A_50 : vector<48x4xi32>
    %and3A_52 = arith.andi %ne3A_46, %ne3A_51 : vector<48x4xi1>
    %sub3A_53 = arith.constant 1 : i32
    %sub3A_54 = vector.broadcast %sub3A_53 : i32 to vector<48x4xi32>
    %sub3A_55 = arith.subi %div3A_28, %sub3A_54 : vector<48x4xi32>
    %select_n3A_56 = arith.select %and3A_52, %sub3A_55, %div3A_28 : vector<48x4xi1>, vector<48x4xi32>
    %iota3A_57 = tpu.iota {dimensions = array<i32: 1>} : vector<48x4xi32>
    %eq3A_58 = arith.cmpi eq, %select_n3A_56, %iota3A_57 : vector<48x4xi32>
    %convert_element_type3A_59 = arith.extui %eq3A_58 : vector<48x4xi1> to vector<48x4xi32>
    %convert_element_type3A_60 = arith.sitofp %convert_element_type3A_59 : vector<48x4xi32> to vector<48x4xf32>
    %get3A = arith.constant 0 : index
    %get3A_61 = arith.constant 0 : index
    %get3A_62 = vector.load %arg4[%get3A, %get3A_61] : memref<2048x12xf32, #tpu.memory_space<vmem>>, vector<2048x12xf32>
    %concatenate3A = tpu.concatenate %get3A_62, %get3A_62, %get3A_62, %get3A_62 in 1 : vector<2048x12xf32>, vector<2048x12xf32>, vector<2048x12xf32>, vector<2048x12xf32> -> vector<2048x48xf32>
    %mul3A = arith.constant 2048 : i32
    %mul3A_63 = arith.muli %arg0, %mul3A : i32
    %iota3A_64 = tpu.iota {dimensions = array<i32: 0>} : vector<2048x4xi32>
    %add3A = vector.broadcast %mul3A_63 : i32 to vector<2048x4xi32>
    %add3A_65 = arith.addi %add3A, %iota3A_64 : vector<2048x4xi32>
    %lt3A = arith.constant 160000 : i32
    %lt3A_66 = vector.broadcast %lt3A : i32 to vector<2048x4xi32>
    %lt3A_67 = arith.cmpi slt, %add3A_65, %lt3A_66 : vector<2048x4xi32>
    %get3A_68 = arith.constant 0 : index
    %get3A_69 = arith.constant 0 : index
    %get3A_70 = arith.constant 0 : index
    %get3A_71 = vector.load %arg1[%get3A_68, %get3A_69, %get3A_70] : memref<2x2048x128xf32, #tpu.memory_space<vmem>>, vector<1x2048x128xf32>
    %get3A_72 = vector.shape_cast %get3A_71 : vector<1x2048x128xf32> to vector<2048x128xf32>
    %get3A_73 = arith.constant 0 : index
    %get3A_74 = arith.constant 0 : index
    %get3A_75 = arith.constant 0 : index
    %get3A_76 = vector.load %arg2[%get3A_73, %get3A_74, %get3A_75] : memref<2x2048x128xf32, #tpu.memory_space<vmem>>, vector<1x2048x128xf32>
    %get3A_77 = vector.shape_cast %get3A_76 : vector<1x2048x128xf32> to vector<2048x128xf32>
    %mul3A_78 = arith.mulf %get3A_72, %get3A_77 : vector<2048x128xf32>
    %dot_general3A = arith.constant dense<0.000000e+00> : vector<2048x4xf32>
    %dot_general3A_79 = tpu.matmul %mul3A_78, %convert_element_type3A_24, %dot_general3A {dimension_numbers = #tpu.dot_dimension_numbers<[1], [0], [0], [1], [0, 0, 1, 1], [], []>, precision = #tpu.contract_precision<fp32>, transpose_lhs_hint = false} : vector<2048x128xf32>, vector<128x4xf32>, vector<2048x4xf32> -> vector<2048x4xf32>
    %get3A_80 = arith.constant 0 : index
    %get3A_81 = arith.constant 0 : index
    %get3A_82 = arith.constant 0 : index
    %get3A_83 = vector.load %arg3[%get3A_80, %get3A_81, %get3A_82] : memref<2x2048x128xf32, #tpu.memory_space<vmem>>, vector<1x2048x128xf32>
    %get3A_84 = vector.shape_cast %get3A_83 : vector<1x2048x128xf32> to vector<2048x128xf32>
    %slice3A = vector.extract_strided_slice %get3A_84 {offsets = [0, 0], sizes = [2048, 48], strides = [1, 1]} : vector<2048x128xf32> to vector<2048x48xf32>
    %mul3A_85 = arith.mulf %slice3A, %concatenate3A : vector<2048x48xf32>
    %dot_general3A_86 = arith.constant dense<0.000000e+00> : vector<2048x4xf32>
    %dot_general3A_87 = tpu.matmul %mul3A_85, %convert_element_type3A_60, %dot_general3A_86 {dimension_numbers = #tpu.dot_dimension_numbers<[1], [0], [0], [1], [0, 0, 1, 1], [], []>, precision = #tpu.contract_precision<fp32>, transpose_lhs_hint = false} : vector<2048x48xf32>, vector<48x4xf32>, vector<2048x4xf32> -> vector<2048x4xf32>
    %add3A_88 = arith.addf %dot_general3A_79, %dot_general3A_87 : vector<2048x4xf32>
    %swap3A = arith.constant 0 : index
    %swap3A_89 = arith.constant 0 : index
    %swap3A_90 = arith.constant 0 : index
    %swap3A_91 = vector.load %arg5[%swap3A, %swap3A_89, %swap3A_90] : memref<2x2048x4xf32, #tpu.memory_space<vmem>>, vector<1x2048x4xf32>
    %swap3A_92 = vector.shape_cast %swap3A_91 : vector<1x2048x4xf32> to vector<2048x4xf32>
    %swap3A_93 = vector.shape_cast %add3A_88 : vector<2048x4xf32> to vector<1x2048x4xf32>
    tpu.vector_store %arg5[%swap3A, %swap3A_89, %swap3A_90], %swap3A_93 {strides = array<i32>} : memref<2x2048x4xf32, #tpu.memory_space<vmem>>, vector<1x2048x4xf32>,
    %jit3A_94 = arith.constant -1.000000e+30 : f32
    %broadcast_in_dim3A = vector.broadcast %jit3A_94 : f32 to vector<2048x4xf32>
    %select_n3A_95 = arith.select %lt3A_67, %add3A_88, %broadcast_in_dim3A : vector<2048x4xi1>, vector<2048x4xf32>
    %reduce_max3A = arith.constant dense<0xFF800000> : vector<4xf32>
    %reduce_max3A_96 = vector.multi_reduction <maximumf>, %select_n3A_95, %reduce_max3A [0] : vector<2048x4xf32> to vector<4xf32>
    %swap3A_97 = arith.constant 0 : index
    %swap3A_98 = arith.constant 0 : index
    %swap3A_99 = arith.constant 0 : index
    %swap3A_100 = vector.load %arg6[%swap3A_97, %swap3A_98, %swap3A_99] : memref<1x2x4xf32, #tpu.memory_space<vmem>>, vector<1x1x4xf32>
    %swap3A_101 = vector.shape_cast %swap3A_100 : vector<1x1x4xf32> to vector<4xf32>
    %swap3A_102 = vector.shape_cast %reduce_max3A_96 : vector<4xf32> to vector<1x1x4xf32>
    tpu.vector_store %arg6[%swap3A_97, %swap3A_98, %swap3A_99], %swap3A_102 {strides = array<i32>} : memref<1x2x4xf32, #tpu.memory_space<vmem>>, vector<1x1x4xf32>,
    %get3A_103 = arith.constant 1 : index
    %get3A_104 = arith.constant 0 : index
    %get3A_105 = arith.constant 0 : index
    %get3A_106 = vector.load %arg1[%get3A_103, %get3A_104, %get3A_105] : memref<2x2048x128xf32, #tpu.memory_space<vmem>>, vector<1x2048x128xf32>
    %get3A_107 = vector.shape_cast %get3A_106 : vector<1x2048x128xf32> to vector<2048x128xf32>
    %get3A_108 = arith.constant 1 : index
    %get3A_109 = arith.constant 0 : index
    %get3A_110 = arith.constant 0 : index
    %get3A_111 = vector.load %arg2[%get3A_108, %get3A_109, %get3A_110] : memref<2x2048x128xf32, #tpu.memory_space<vmem>>, vector<1x2048x128xf32>
    %get3A_112 = vector.shape_cast %get3A_111 : vector<1x2048x128xf32> to vector<2048x128xf32>
    %mul3A_113 = arith.mulf %get3A_107, %get3A_112 : vector<2048x128xf32>
    %dot_general3A_114 = arith.constant dense<0.000000e+00> : vector<2048x4xf32>
    %dot_general3A_115 = tpu.matmul %mul3A_113, %convert_element_type3A_24, %dot_general3A_114 {dimension_numbers = #tpu.dot_dimension_numbers<[1], [0], [0], [1], [0, 0, 1, 1], [], []>, precision = #tpu.contract_precision<fp32>, transpose_lhs_hint = false} : vector<2048x128xf32>, vector<128x4xf32>, vector<2048x4xf32> -> vector<2048x4xf32>
    %get3A_116 = arith.constant 1 : index
    %get3A_117 = arith.constant 0 : index
    %get3A_118 = arith.constant 0 : index
    %get3A_119 = vector.load %arg3[%get3A_116, %get3A_117, %get3A_118] : memref<2x2048x128xf32, #tpu.memory_space<vmem>>, vector<1x2048x128xf32>
    %get3A_120 = vector.shape_cast %get3A_119 : vector<1x2048x128xf32> to vector<2048x128xf32>
    %slice3A_121 = vector.extract_strided_slice %get3A_120 {offsets = [0, 0], sizes = [2048, 48], strides = [1, 1]} : vector<2048x128xf32> to vector<2048x48xf32>
    %mul3A_122 = arith.mulf %slice3A_121, %concatenate3A : vector<2048x48xf32>
    %dot_general3A_123 = arith.constant dense<0.000000e+00> : vector<2048x4xf32>
    %dot_general3A_124 = tpu.matmul %mul3A_122, %convert_element_type3A_60, %dot_general3A_123 {dimension_numbers = #tpu.dot_dimension_numbers<[1], [0], [0], [1], [0, 0, 1, 1], [], []>, precision = #tpu.contract_precision<fp32>, transpose_lhs_hint = false} : vector<2048x48xf32>, vector<48x4xf32>, vector<2048x4xf32> -> vector<2048x4xf32>
    %add3A_125 = arith.addf %dot_general3A_115, %dot_general3A_124 : vector<2048x4xf32>
    %swap3A_126 = arith.constant 1 : index
    %swap3A_127 = arith.constant 0 : index
    %swap3A_128 = arith.constant 0 : index
    %swap3A_129 = vector.load %arg5[%swap3A_126, %swap3A_127, %swap3A_128] : memref<2x2048x4xf32, #tpu.memory_space<vmem>>, vector<1x2048x4xf32>
    %swap3A_130 = vector.shape_cast %swap3A_129 : vector<1x2048x4xf32> to vector<2048x4xf32>
    %swap3A_131 = vector.shape_cast %add3A_125 : vector<2048x4xf32> to vector<1x2048x4xf32>
    tpu.vector_store %arg5[%swap3A_126, %swap3A_127, %swap3A_128], %swap3A_131 {strides = array<i32>} : memref<2x2048x4xf32, #tpu.memory_space<vmem>>, vector<1x2048x4xf32>,
    %jit3A_132 = arith.constant -1.000000e+30 : f32
    %broadcast_in_dim3A_133 = vector.broadcast %jit3A_132 : f32 to vector<2048x4xf32>
    %select_n3A_134 = arith.select %lt3A_67, %add3A_125, %broadcast_in_dim3A_133 : vector<2048x4xi1>, vector<2048x4xf32>
    %reduce_max3A_135 = arith.constant dense<0xFF800000> : vector<4xf32>
    %reduce_max3A_136 = vector.multi_reduction <maximumf>, %select_n3A_134, %reduce_max3A_135 [0] : vector<2048x4xf32> to vector<4xf32>
    %swap3A_137 = arith.constant 0 : index
    %swap3A_138 = arith.constant 1 : index
    %swap3A_139 = arith.constant 0 : index
    %swap3A_140 = vector.load %arg6[%swap3A_137, %swap3A_138, %swap3A_139] : memref<1x2x4xf32, #tpu.memory_space<vmem>>, vector<1x1x4xf32>
    %swap3A_141 = vector.shape_cast %swap3A_140 : vector<1x1x4xf32> to vector<4xf32>
    %swap3A_142 = vector.shape_cast %reduce_max3A_136 : vector<4xf32> to vector<1x1x4xf32>
    tpu.vector_store %arg6[%swap3A_137, %swap3A_138, %swap3A_139], %swap3A_142 {strides = array<i32>} : memref<1x2x4xf32, #tpu.memory_space<vmem>>, vector<1x1x4xf32>,
    return
  }
  func.func @transform_0(%arg0: i32) -> (i32, i32, i32) {
    %c0_i32 = arith.constant 0 : i32
    %c0_i32_0 = arith.constant 0 : i32
    %c0_i32_1 = arith.constant 0 : i32
    return %c0_i32, %arg0, %c0_i32_0 : i32, i32, i32
  }
  func.func @transform_1(%arg0: i32) -> (i32, i32, i32) {
    %c0_i32 = arith.constant 0 : i32
    %c0_i32_0 = arith.constant 0 : i32
    %c0_i32_1 = arith.constant 0 : i32
    return %c0_i32, %arg0, %c0_i32_0 : i32, i32, i32
  }
  func.func @transform_2(%arg0: i32) -> (i32, i32, i32) {
    %c0_i32 = arith.constant 0 : i32
    %c0_i32_0 = arith.constant 0 : i32
    %c0_i32_1 = arith.constant 0 : i32
    return %c0_i32, %arg0, %c0_i32_0 : i32, i32, i32
  }
  func.func @transform_3(%arg0: i32) -> (i32, i32) {
    %c0_i32 = arith.constant 0 : i32
    %c0_i32_0 = arith.constant 0 : i32
    return %arg0, %c0_i32 : i32, i32
  }
  func.func @transform_4(%arg0: i32) -> (i32, i32, i32) {
    %c0_i32 = arith.constant 0 : i32
    %c0_i32_0 = arith.constant 0 : i32
    %c0_i32_1 = arith.constant 0 : i32
    return %c0_i32, %arg0, %c0_i32_0 : i32, i32, i32
  }
  func.func @transform_5(%arg0: i32) -> (i32, i32, i32) {
    %c0_i32 = arith.constant 0 : i32
    %c0_i32_0 = arith.constant 0 : i32
    %c0_i32_1 = arith.constant 0 : i32
    return %arg0, %c0_i32, %c0_i32_0 : i32, i32, i32
  }
}

module attributes {stable_mosaic.version = 14 : i64} {
  func.func @_payload_body(%arg0: i32, %arg1: memref<2x2048x4xf32, #tpu.memory_space<vmem>>, %arg2: memref<79x2x4xf32, #tpu.memory_space<vmem>>, %arg3: memref<2x2048x128xf32, #tpu.memory_space<vmem>>, %arg4: memref<2048x12xf32, #tpu.memory_space<vmem>>, %arg5: memref<2048x1xf32, #tpu.memory_space<vmem>>, %arg6: memref<2x2048x128xf32, #tpu.memory_space<vmem>>, %arg7: memref<2x2048x128xf32, #tpu.memory_space<vmem>>) attributes {dimension_semantics = [#tpu.dimension_semantics<arbitrary>], iteration_bounds = array<i64: 79>, scalar_prefetch = 0 : i64, scratch_operands = 0 : i64, tpu.core_type = #tpu.core_type<tc>, window_params = [{transform_indices = @transform_0, window_bounds = array<i64: 2, 2048, 4>}, {pipeline_mode = #tpu.pipeline_mode<synchronous>, transform_indices = @transform_1, window_bounds = array<i64: 79, 2, 4>}, {transform_indices = @transform_2, window_bounds = array<i64: 2, 2048, 128>}, {transform_indices = @transform_3, window_bounds = array<i64: 2048, 12>}, {transform_indices = @transform_4, window_bounds = array<i64: 2048, 1>}, {transform_indices = @transform_5, window_bounds = array<i64: 2, 2048, 128>}, {transform_indices = @transform_6, window_bounds = array<i64: 2, 2048, 128>}]} {
    %mul3A = arith.constant 2048 : i32
    %mul3A_0 = arith.muli %arg0, %mul3A : i32
    %iota3A = tpu.iota {dimensions = array<i32: 0>} : vector<2048x4xi32>
    %add3A = vector.broadcast %mul3A_0 : i32 to vector<2048x4xi32>
    %add3A_1 = arith.addi %add3A, %iota3A : vector<2048x4xi32>
    %lt3A = arith.constant 160000 : i32
    %lt3A_2 = vector.broadcast %lt3A : i32 to vector<2048x4xi32>
    %lt3A_3 = arith.cmpi slt, %add3A_1, %lt3A_2 : vector<2048x4xi32>
    %iota3A_4 = tpu.iota {dimensions = array<i32: 1>} : vector<4x128xi32>
    %jit3A = arith.constant 32 : i32
    %div3A = vector.broadcast %jit3A : i32 to vector<4x128xi32>
    %div3A_5 = arith.divsi %iota3A_4, %div3A : vector<4x128xi32>
    %sign3A = arith.constant 0 : i32
    %sign3A_6 = vector.broadcast %sign3A : i32 to vector<4x128xi32>
    %sign3A_7 = arith.cmpi sgt, %iota3A_4, %sign3A_6 : vector<4x128xi32>
    %sign3A_8 = arith.extui %sign3A_7 : vector<4x128xi1> to vector<4x128xi32>
    %sign3A_9 = arith.constant 0 : i32
    %sign3A_10 = vector.broadcast %sign3A_9 : i32 to vector<4x128xi32>
    %sign3A_11 = arith.cmpi slt, %iota3A_4, %sign3A_10 : vector<4x128xi32>
    %sign3A_12 = arith.extui %sign3A_11 : vector<4x128xi1> to vector<4x128xi32>
    %sign3A_13 = arith.subi %sign3A_8, %sign3A_12 : vector<4x128xi32>
    %sign3A_14 = arith.constant 0 : i32
    %sign3A_15 = arith.cmpi sgt, %jit3A, %sign3A_14 : i32
    %sign3A_16 = arith.extui %sign3A_15 : i1 to i32
    %sign3A_17 = arith.constant 0 : i32
    %sign3A_18 = arith.cmpi slt, %jit3A, %sign3A_17 : i32
    %sign3A_19 = arith.extui %sign3A_18 : i1 to i32
    %sign3A_20 = arith.subi %sign3A_16, %sign3A_19 : i32
    %ne3A = vector.broadcast %sign3A_20 : i32 to vector<4x128xi32>
    %ne3A_21 = arith.cmpi ne, %sign3A_13, %ne3A : vector<4x128xi32>
    %rem3A = vector.broadcast %jit3A : i32 to vector<4x128xi32>
    %rem3A_22 = arith.remsi %iota3A_4, %rem3A : vector<4x128xi32>
    %ne3A_23 = arith.constant 0 : i32
    %ne3A_24 = vector.broadcast %ne3A_23 : i32 to vector<4x128xi32>
    %ne3A_25 = arith.cmpi ne, %rem3A_22, %ne3A_24 : vector<4x128xi32>
    %and3A = arith.andi %ne3A_21, %ne3A_25 : vector<4x128xi1>
    %sub3A = arith.constant 1 : i32
    %sub3A_26 = vector.broadcast %sub3A : i32 to vector<4x128xi32>
    %sub3A_27 = arith.subi %div3A_5, %sub3A_26 : vector<4x128xi32>
    %select_n3A = arith.select %and3A, %sub3A_27, %div3A_5 : vector<4x128xi1>, vector<4x128xi32>
    %iota3A_28 = tpu.iota {dimensions = array<i32: 0>} : vector<4x128xi32>
    %eq3A = arith.cmpi eq, %select_n3A, %iota3A_28 : vector<4x128xi32>
    %convert_element_type3A = arith.extui %eq3A : vector<4x128xi1> to vector<4x128xi32>
    %convert_element_type3A_29 = arith.sitofp %convert_element_type3A : vector<4x128xi32> to vector<4x128xf32>
    %iota3A_30 = tpu.iota {dimensions = array<i32: 1>} : vector<4x48xi32>
    %jit3A_31 = arith.constant 12 : i32
    %div3A_32 = vector.broadcast %jit3A_31 : i32 to vector<4x48xi32>
    %div3A_33 = arith.divsi %iota3A_30, %div3A_32 : vector<4x48xi32>
    %sign3A_34 = arith.constant 0 : i32
    %sign3A_35 = vector.broadcast %sign3A_34 : i32 to vector<4x48xi32>
    %sign3A_36 = arith.cmpi sgt, %iota3A_30, %sign3A_35 : vector<4x48xi32>
    %sign3A_37 = arith.extui %sign3A_36 : vector<4x48xi1> to vector<4x48xi32>
    %sign3A_38 = arith.constant 0 : i32
    %sign3A_39 = vector.broadcast %sign3A_38 : i32 to vector<4x48xi32>
    %sign3A_40 = arith.cmpi slt, %iota3A_30, %sign3A_39 : vector<4x48xi32>
    %sign3A_41 = arith.extui %sign3A_40 : vector<4x48xi1> to vector<4x48xi32>
    %sign3A_42 = arith.subi %sign3A_37, %sign3A_41 : vector<4x48xi32>
    %sign3A_43 = arith.constant 0 : i32
    %sign3A_44 = arith.cmpi sgt, %jit3A_31, %sign3A_43 : i32
    %sign3A_45 = arith.extui %sign3A_44 : i1 to i32
    %sign3A_46 = arith.constant 0 : i32
    %sign3A_47 = arith.cmpi slt, %jit3A_31, %sign3A_46 : i32
    %sign3A_48 = arith.extui %sign3A_47 : i1 to i32
    %sign3A_49 = arith.subi %sign3A_45, %sign3A_48 : i32
    %ne3A_50 = vector.broadcast %sign3A_49 : i32 to vector<4x48xi32>
    %ne3A_51 = arith.cmpi ne, %sign3A_42, %ne3A_50 : vector<4x48xi32>
    %rem3A_52 = vector.broadcast %jit3A_31 : i32 to vector<4x48xi32>
    %rem3A_53 = arith.remsi %iota3A_30, %rem3A_52 : vector<4x48xi32>
    %ne3A_54 = arith.constant 0 : i32
    %ne3A_55 = vector.broadcast %ne3A_54 : i32 to vector<4x48xi32>
    %ne3A_56 = arith.cmpi ne, %rem3A_53, %ne3A_55 : vector<4x48xi32>
    %and3A_57 = arith.andi %ne3A_51, %ne3A_56 : vector<4x48xi1>
    %sub3A_58 = arith.constant 1 : i32
    %sub3A_59 = vector.broadcast %sub3A_58 : i32 to vector<4x48xi32>
    %sub3A_60 = arith.subi %div3A_33, %sub3A_59 : vector<4x48xi32>
    %select_n3A_61 = arith.select %and3A_57, %sub3A_60, %div3A_33 : vector<4x48xi1>, vector<4x48xi32>
    %iota3A_62 = tpu.iota {dimensions = array<i32: 0>} : vector<4x48xi32>
    %eq3A_63 = arith.cmpi eq, %select_n3A_61, %iota3A_62 : vector<4x48xi32>
    %convert_element_type3A_64 = arith.extui %eq3A_63 : vector<4x48xi1> to vector<4x48xi32>
    %convert_element_type3A_65 = arith.sitofp %convert_element_type3A_64 : vector<4x48xi32> to vector<4x48xf32>
    %get3A = arith.constant 0 : index
    %get3A_66 = arith.constant 0 : index
    %get3A_67 = vector.load %arg4[%get3A, %get3A_66] : memref<2048x12xf32, #tpu.memory_space<vmem>>, vector<2048x12xf32>
    %concatenate3A = tpu.concatenate %get3A_67, %get3A_67, %get3A_67, %get3A_67 in 1 : vector<2048x12xf32>, vector<2048x12xf32>, vector<2048x12xf32>, vector<2048x12xf32> -> vector<2048x48xf32>
    %get3A_68 = arith.constant 0 : index
    %get3A_69 = arith.constant 0 : index
    %get3A_70 = vector.load %arg5[%get3A_68, %get3A_69] : memref<2048x1xf32, #tpu.memory_space<vmem>>, vector<2048x1xf32>
    %get3A_71 = arith.constant 0 : index
    %get3A_72 = arith.constant 0 : index
    %get3A_73 = arith.constant 0 : index
    %get3A_74 = vector.load %arg2[%get3A_71, %get3A_72, %get3A_73] : memref<79x2x4xf32, #tpu.memory_space<vmem>>, vector<79x2x4xf32>
    %reduce_max3A = arith.constant dense<0xFF800000> : vector<2x4xf32>
    %reduce_max3A_75 = vector.multi_reduction <maximumf>, %get3A_74, %reduce_max3A [0] : vector<79x2x4xf32> to vector<2x4xf32>
    %get3A_76 = arith.constant 0 : index
    %get3A_77 = arith.constant 0 : index
    %get3A_78 = arith.constant 0 : index
    %get3A_79 = vector.load %arg1[%get3A_76, %get3A_77, %get3A_78] : memref<2x2048x4xf32, #tpu.memory_space<vmem>>, vector<1x2048x4xf32>
    %get3A_80 = vector.shape_cast %get3A_79 : vector<1x2048x4xf32> to vector<2048x4xf32>
    %slice3A = vector.extract_strided_slice %reduce_max3A_75 {offsets = [0, 0], sizes = [1, 4], strides = [1, 1]} : vector<2x4xf32> to vector<1x4xf32>
    %squeeze3A = vector.shape_cast %slice3A : vector<1x4xf32> to vector<4xf32>
    %broadcast_in_dim3A = vector.shape_cast %squeeze3A : vector<4xf32> to vector<1x4xf32>
    %sub3A_81 = vector.broadcast %broadcast_in_dim3A : vector<1x4xf32> to vector<2048x4xf32>
    %sub3A_82 = arith.subf %get3A_80, %sub3A_81 : vector<2048x4xf32>
    %exp3A = math.exp %sub3A_82 : vector<2048x4xf32>
    %jit3A_83 = arith.constant 0.000000e+00 : f32
    %broadcast_in_dim3A_84 = vector.broadcast %jit3A_83 : f32 to vector<2048x4xf32>
    %select_n3A_85 = arith.select %lt3A_3, %exp3A, %broadcast_in_dim3A_84 : vector<2048x4xi1>, vector<2048x4xf32>
    %mul3A_86 = vector.broadcast %get3A_70 : vector<2048x1xf32> to vector<2048x4xf32>
    %mul3A_87 = arith.mulf %select_n3A_85, %mul3A_86 : vector<2048x4xf32>
    %get3A_88 = arith.constant 0 : index
    %get3A_89 = arith.constant 0 : index
    %get3A_90 = arith.constant 0 : index
    %get3A_91 = vector.load %arg3[%get3A_88, %get3A_89, %get3A_90] : memref<2x2048x128xf32, #tpu.memory_space<vmem>>, vector<1x2048x128xf32>
    %get3A_92 = vector.shape_cast %get3A_91 : vector<1x2048x128xf32> to vector<2048x128xf32>
    %dot_general3A = arith.constant dense<0.000000e+00> : vector<2048x128xf32>
    %dot_general3A_93 = tpu.matmul %mul3A_87, %convert_element_type3A_29, %dot_general3A {dimension_numbers = #tpu.dot_dimension_numbers<[1], [0], [0], [1], [0, 0, 1, 1], [], []>, precision = #tpu.contract_precision<fp32>, transpose_lhs_hint = false} : vector<2048x4xf32>, vector<4x128xf32>, vector<2048x128xf32> -> vector<2048x128xf32>
    %mul3A_94 = arith.mulf %get3A_92, %dot_general3A_93 : vector<2048x128xf32>
    %swap3A = arith.constant 0 : index
    %swap3A_95 = arith.constant 0 : index
    %swap3A_96 = arith.constant 0 : index
    %swap3A_97 = vector.load %arg6[%swap3A, %swap3A_95, %swap3A_96] : memref<2x2048x128xf32, #tpu.memory_space<vmem>>, vector<1x2048x128xf32>
    %swap3A_98 = vector.shape_cast %swap3A_97 : vector<1x2048x128xf32> to vector<2048x128xf32>
    %swap3A_99 = vector.shape_cast %mul3A_94 : vector<2048x128xf32> to vector<1x2048x128xf32>
    tpu.vector_store %arg6[%swap3A, %swap3A_95, %swap3A_96], %swap3A_99 {strides = array<i32>} : memref<2x2048x128xf32, #tpu.memory_space<vmem>>, vector<1x2048x128xf32>,
    %dot_general3A_100 = arith.constant dense<0.000000e+00> : vector<2048x48xf32>
    %dot_general3A_101 = tpu.matmul %mul3A_87, %convert_element_type3A_65, %dot_general3A_100 {dimension_numbers = #tpu.dot_dimension_numbers<[1], [0], [0], [1], [0, 0, 1, 1], [], []>, precision = #tpu.contract_precision<fp32>, transpose_lhs_hint = false} : vector<2048x4xf32>, vector<4x48xf32>, vector<2048x48xf32> -> vector<2048x48xf32>
    %mul3A_102 = arith.mulf %concatenate3A, %dot_general3A_101 : vector<2048x48xf32>
    %broadcast_in_dim3A_103 = arith.constant 0.000000e+00 : f32
    %broadcast_in_dim3A_104 = vector.broadcast %broadcast_in_dim3A_103 : f32 to vector<2048x76xf32>
    %concatenate3A_105 = tpu.concatenate %mul3A_102, %select_n3A_85, %broadcast_in_dim3A_104 in 1 : vector<2048x48xf32>, vector<2048x4xf32>, vector<2048x76xf32> -> vector<2048x128xf32>
    %swap3A_106 = arith.constant 0 : index
    %swap3A_107 = arith.constant 0 : index
    %swap3A_108 = arith.constant 0 : index
    %swap3A_109 = vector.load %arg7[%swap3A_106, %swap3A_107, %swap3A_108] : memref<2x2048x128xf32, #tpu.memory_space<vmem>>, vector<1x2048x128xf32>
    %swap3A_110 = vector.shape_cast %swap3A_109 : vector<1x2048x128xf32> to vector<2048x128xf32>
    %swap3A_111 = vector.shape_cast %concatenate3A_105 : vector<2048x128xf32> to vector<1x2048x128xf32>
    tpu.vector_store %arg7[%swap3A_106, %swap3A_107, %swap3A_108], %swap3A_111 {strides = array<i32>} : memref<2x2048x128xf32, #tpu.memory_space<vmem>>, vector<1x2048x128xf32>,
    %get3A_112 = arith.constant 1 : index
    %get3A_113 = arith.constant 0 : index
    %get3A_114 = arith.constant 0 : index
    %get3A_115 = vector.load %arg1[%get3A_112, %get3A_113, %get3A_114] : memref<2x2048x4xf32, #tpu.memory_space<vmem>>, vector<1x2048x4xf32>
    %get3A_116 = vector.shape_cast %get3A_115 : vector<1x2048x4xf32> to vector<2048x4xf32>
    %slice3A_117 = vector.extract_strided_slice %reduce_max3A_75 {offsets = [1, 0], sizes = [1, 4], strides = [1, 1]} : vector<2x4xf32> to vector<1x4xf32>
    %squeeze3A_118 = vector.shape_cast %slice3A_117 : vector<1x4xf32> to vector<4xf32>
    %broadcast_in_dim3A_119 = vector.shape_cast %squeeze3A_118 : vector<4xf32> to vector<1x4xf32>
    %sub3A_120 = vector.broadcast %broadcast_in_dim3A_119 : vector<1x4xf32> to vector<2048x4xf32>
    %sub3A_121 = arith.subf %get3A_116, %sub3A_120 : vector<2048x4xf32>
    %exp3A_122 = math.exp %sub3A_121 : vector<2048x4xf32>
    %jit3A_123 = arith.constant 0.000000e+00 : f32
    %broadcast_in_dim3A_124 = vector.broadcast %jit3A_123 : f32 to vector<2048x4xf32>
    %select_n3A_125 = arith.select %lt3A_3, %exp3A_122, %broadcast_in_dim3A_124 : vector<2048x4xi1>, vector<2048x4xf32>
    %mul3A_126 = vector.broadcast %get3A_70 : vector<2048x1xf32> to vector<2048x4xf32>
    %mul3A_127 = arith.mulf %select_n3A_125, %mul3A_126 : vector<2048x4xf32>
    %get3A_128 = arith.constant 1 : index
    %get3A_129 = arith.constant 0 : index
    %get3A_130 = arith.constant 0 : index
    %get3A_131 = vector.load %arg3[%get3A_128, %get3A_129, %get3A_130] : memref<2x2048x128xf32, #tpu.memory_space<vmem>>, vector<1x2048x128xf32>
    %get3A_132 = vector.shape_cast %get3A_131 : vector<1x2048x128xf32> to vector<2048x128xf32>
    %dot_general3A_133 = arith.constant dense<0.000000e+00> : vector<2048x128xf32>
    %dot_general3A_134 = tpu.matmul %mul3A_127, %convert_element_type3A_29, %dot_general3A_133 {dimension_numbers = #tpu.dot_dimension_numbers<[1], [0], [0], [1], [0, 0, 1, 1], [], []>, precision = #tpu.contract_precision<fp32>, transpose_lhs_hint = false} : vector<2048x4xf32>, vector<4x128xf32>, vector<2048x128xf32> -> vector<2048x128xf32>
    %mul3A_135 = arith.mulf %get3A_132, %dot_general3A_134 : vector<2048x128xf32>
    %swap3A_136 = arith.constant 1 : index
    %swap3A_137 = arith.constant 0 : index
    %swap3A_138 = arith.constant 0 : index
    %swap3A_139 = vector.load %arg6[%swap3A_136, %swap3A_137, %swap3A_138] : memref<2x2048x128xf32, #tpu.memory_space<vmem>>, vector<1x2048x128xf32>
    %swap3A_140 = vector.shape_cast %swap3A_139 : vector<1x2048x128xf32> to vector<2048x128xf32>
    %swap3A_141 = vector.shape_cast %mul3A_135 : vector<2048x128xf32> to vector<1x2048x128xf32>
    tpu.vector_store %arg6[%swap3A_136, %swap3A_137, %swap3A_138], %swap3A_141 {strides = array<i32>} : memref<2x2048x128xf32, #tpu.memory_space<vmem>>, vector<1x2048x128xf32>,
    %dot_general3A_142 = arith.constant dense<0.000000e+00> : vector<2048x48xf32>
    %dot_general3A_143 = tpu.matmul %mul3A_127, %convert_element_type3A_65, %dot_general3A_142 {dimension_numbers = #tpu.dot_dimension_numbers<[1], [0], [0], [1], [0, 0, 1, 1], [], []>, precision = #tpu.contract_precision<fp32>, transpose_lhs_hint = false} : vector<2048x4xf32>, vector<4x48xf32>, vector<2048x48xf32> -> vector<2048x48xf32>
    %mul3A_144 = arith.mulf %concatenate3A, %dot_general3A_143 : vector<2048x48xf32>
    %broadcast_in_dim3A_145 = arith.constant 0.000000e+00 : f32
    %broadcast_in_dim3A_146 = vector.broadcast %broadcast_in_dim3A_145 : f32 to vector<2048x76xf32>
    %concatenate3A_147 = tpu.concatenate %mul3A_144, %select_n3A_125, %broadcast_in_dim3A_146 in 1 : vector<2048x48xf32>, vector<2048x4xf32>, vector<2048x76xf32> -> vector<2048x128xf32>
    %swap3A_148 = arith.constant 1 : index
    %swap3A_149 = arith.constant 0 : index
    %swap3A_150 = arith.constant 0 : index
    %swap3A_151 = vector.load %arg7[%swap3A_148, %swap3A_149, %swap3A_150] : memref<2x2048x128xf32, #tpu.memory_space<vmem>>, vector<1x2048x128xf32>
    %swap3A_152 = vector.shape_cast %swap3A_151 : vector<1x2048x128xf32> to vector<2048x128xf32>
    %swap3A_153 = vector.shape_cast %concatenate3A_147 : vector<2048x128xf32> to vector<1x2048x128xf32>
    tpu.vector_store %arg7[%swap3A_148, %swap3A_149, %swap3A_150], %swap3A_153 {strides = array<i32>} : memref<2x2048x128xf32, #tpu.memory_space<vmem>>, vector<1x2048x128xf32>,
    return
  }
  func.func @transform_0(%arg0: i32) -> (i32, i32, i32) {
    %c0_i32 = arith.constant 0 : i32
    %c0_i32_0 = arith.constant 0 : i32
    %c0_i32_1 = arith.constant 0 : i32
    return %c0_i32, %arg0, %c0_i32_0 : i32, i32, i32
  }
  func.func @transform_1(%arg0: i32) -> (i32, i32, i32) {
    %c0_i32 = arith.constant 0 : i32
    %c0_i32_0 = arith.constant 0 : i32
    %c0_i32_1 = arith.constant 0 : i32
    %c0_i32_2 = arith.constant 0 : i32
    return %c0_i32, %c0_i32_0, %c0_i32_1 : i32, i32, i32
  }
  func.func @transform_2(%arg0: i32) -> (i32, i32, i32) {
    %c0_i32 = arith.constant 0 : i32
    %c0_i32_0 = arith.constant 0 : i32
    %c0_i32_1 = arith.constant 0 : i32
    return %c0_i32, %arg0, %c0_i32_0 : i32, i32, i32
  }
  func.func @transform_3(%arg0: i32) -> (i32, i32) {
    %c0_i32 = arith.constant 0 : i32
    %c0_i32_0 = arith.constant 0 : i32
    return %arg0, %c0_i32 : i32, i32
  }
  func.func @transform_4(%arg0: i32) -> (i32, i32) {
    %c0_i32 = arith.constant 0 : i32
    %c0_i32_0 = arith.constant 0 : i32
    return %arg0, %c0_i32 : i32, i32
  }
  func.func @transform_5(%arg0: i32) -> (i32, i32, i32) {
    %c0_i32 = arith.constant 0 : i32
    %c0_i32_0 = arith.constant 0 : i32
    %c0_i32_1 = arith.constant 0 : i32
    return %c0_i32, %arg0, %c0_i32_0 : i32, i32, i32
  }
  func.func @transform_6(%arg0: i32) -> (i32, i32, i32) {
    %c0_i32 = arith.constant 0 : i32
    %c0_i32_0 = arith.constant 0 : i32
    %c0_i32_1 = arith.constant 0 : i32
    return %c0_i32, %arg0, %c0_i32_0 : i32, i32, i32
  }
}

module attributes {stable_mosaic.version = 14 : i64} {
  func.func @_combine_body(%arg0: i32, %arg1: memref<2x2000x128xf32, #tpu.memory_space<vmem>>, %arg2: memref<2x2000x128xf32, #tpu.memory_space<vmem>>, %arg3: memref<2x2000x128xf32, #tpu.memory_space<vmem>>, %arg4: memref<2x48x128xf32, #tpu.memory_space<vmem>>, %arg5: memref<1x1x2000xi32, #tpu.memory_space<vmem>>, %arg6: memref<2x64x128xf32, #tpu.memory_space<vmem>>, %arg7: memref<64x1xf32, #tpu.memory_space<vmem>>) attributes {dimension_semantics = [#tpu.dimension_semantics<arbitrary>], iteration_bounds = array<i64: 5>, scalar_prefetch = 0 : i64, scratch_operands = 0 : i64, tpu.core_type = #tpu.core_type<tc>, window_params = [{transform_indices = @transform_0, window_bounds = array<i64: 2, 2000, 128>}, {transform_indices = @transform_1, window_bounds = array<i64: 2, 2000, 128>}, {transform_indices = @transform_2, window_bounds = array<i64: 2, 2000, 128>}, {pipeline_mode = #tpu.pipeline_mode<synchronous>, transform_indices = @transform_3, window_bounds = array<i64: 2, 48, 128>}, {transform_indices = @transform_4, window_bounds = array<i64: 1, 1, 2000>}, {pipeline_mode = #tpu.pipeline_mode<synchronous>, transform_indices = @transform_5, window_bounds = array<i64: 2, 64, 128>}, {pipeline_mode = #tpu.pipeline_mode<synchronous>, transform_indices = @transform_6, window_bounds = array<i64: 64, 1>}]} {
    %eq3A = arith.constant 0 : i32
    %eq3A_0 = arith.cmpi eq, %arg0, %eq3A : i32
    %convert_element_type3A = arith.extui %eq3A_0 : i1 to i32
    %cond3A = arith.constant 0 : i32
    %cond3A_1 = arith.cmpi ne, %convert_element_type3A, %cond3A : i32
    scf.if %cond3A_1 {
      %broadcast_in_dim3A_141 = arith.constant 0.000000e+00 : f32
      %broadcast_in_dim3A_142 = vector.broadcast %broadcast_in_dim3A_141 : f32 to vector<2x64x128xf32>
      %swap3A_143 = arith.constant 0 : index
      %swap3A_144 = arith.constant 0 : index
      %swap3A_145 = arith.constant 0 : index
      %swap3A_146 = vector.load %arg6[%swap3A_143, %swap3A_144, %swap3A_145] : memref<2x64x128xf32, #tpu.memory_space<vmem>>, vector<2x64x128xf32>
      tpu.vector_store %arg6[%swap3A_143, %swap3A_144, %swap3A_145], %broadcast_in_dim3A_142 {strides = array<i32>} : memref<2x64x128xf32, #tpu.memory_space<vmem>>, vector<2x64x128xf32>,
      %broadcast_in_dim3A_147 = arith.constant 0.000000e+00 : f32
      %broadcast_in_dim3A_148 = vector.broadcast %broadcast_in_dim3A_147 : f32 to vector<64x1xf32>
      %swap3A_149 = arith.constant 0 : index
      %swap3A_150 = arith.constant 0 : index
      %swap3A_151 = vector.load %arg7[%swap3A_149, %swap3A_150] : memref<64x1xf32, #tpu.memory_space<vmem>>, vector<64x1xf32>
      tpu.vector_store %arg7[%swap3A_149, %swap3A_150], %broadcast_in_dim3A_148 {strides = array<i32>} : memref<64x1xf32, #tpu.memory_space<vmem>>, vector<64x1xf32>,
    } else {
    }
    %get3A = arith.constant 0 : index
    %get3A_2 = arith.constant 0 : index
    %get3A_3 = arith.constant 0 : index
    %get3A_4 = vector.load %arg5[%get3A, %get3A_2, %get3A_3] : memref<1x1x2000xi32, #tpu.memory_space<vmem>>, vector<1x1x2000xi32>
    %get3A_5 = vector.shape_cast %get3A_4 : vector<1x1x2000xi32> to vector<1x2000xi32>
    %iota3A = tpu.iota {dimensions = array<i32: 0>} : vector<64x2000xi32>
    %eq3A_6 = vector.broadcast %get3A_5 : vector<1x2000xi32> to vector<64x2000xi32>
    %eq3A_7 = arith.cmpi eq, %iota3A, %eq3A_6 : vector<64x2000xi32>
    %convert_element_type3A_8 = arith.extui %eq3A_7 : vector<64x2000xi1> to vector<64x2000xi32>
    %convert_element_type3A_9 = arith.sitofp %convert_element_type3A_8 : vector<64x2000xi32> to vector<64x2000xf32>
    %get3A_10 = arith.constant 0 : index
    %get3A_11 = arith.constant 0 : index
    %get3A_12 = vector.load %arg7[%get3A_10, %get3A_11] : memref<64x1xf32, #tpu.memory_space<vmem>>, vector<64x1xf32>
    %broadcast_in_dim3A = arith.constant 1.000000e+00 : f32
    %broadcast_in_dim3A_13 = vector.broadcast %broadcast_in_dim3A : f32 to vector<2000x1xf32>
    %dot_general3A = arith.constant dense<0.000000e+00> : vector<64x1xf32>
    %dot_general3A_14 = tpu.matmul %convert_element_type3A_9, %broadcast_in_dim3A_13, %dot_general3A {dimension_numbers = #tpu.dot_dimension_numbers<[1], [0], [0], [1], [0, 0, 1, 1], [], []>, precision = #tpu.contract_precision<fp32>, transpose_lhs_hint = false} : vector<64x2000xf32>, vector<2000x1xf32>, vector<64x1xf32> -> vector<64x1xf32>
    %add3A = arith.addf %get3A_12, %dot_general3A_14 : vector<64x1xf32>
    %swap3A = arith.constant 0 : index
    %swap3A_15 = arith.constant 0 : index
    %swap3A_16 = vector.load %arg7[%swap3A, %swap3A_15] : memref<64x1xf32, #tpu.memory_space<vmem>>, vector<64x1xf32>
    tpu.vector_store %arg7[%swap3A, %swap3A_15], %add3A {strides = array<i32>} : memref<64x1xf32, #tpu.memory_space<vmem>>, vector<64x1xf32>,
    %iota3A_17 = tpu.iota {dimensions = array<i32: 1>} : vector<4x128xi32>
    %jit3A = arith.constant 32 : i32
    %div3A = vector.broadcast %jit3A : i32 to vector<4x128xi32>
    %div3A_18 = arith.divsi %iota3A_17, %div3A : vector<4x128xi32>
    %sign3A = arith.constant 0 : i32
    %sign3A_19 = vector.broadcast %sign3A : i32 to vector<4x128xi32>
    %sign3A_20 = arith.cmpi sgt, %iota3A_17, %sign3A_19 : vector<4x128xi32>
    %sign3A_21 = arith.extui %sign3A_20 : vector<4x128xi1> to vector<4x128xi32>
    %sign3A_22 = arith.constant 0 : i32
    %sign3A_23 = vector.broadcast %sign3A_22 : i32 to vector<4x128xi32>
    %sign3A_24 = arith.cmpi slt, %iota3A_17, %sign3A_23 : vector<4x128xi32>
    %sign3A_25 = arith.extui %sign3A_24 : vector<4x128xi1> to vector<4x128xi32>
    %sign3A_26 = arith.subi %sign3A_21, %sign3A_25 : vector<4x128xi32>
    %sign3A_27 = arith.constant 0 : i32
    %sign3A_28 = arith.cmpi sgt, %jit3A, %sign3A_27 : i32
    %sign3A_29 = arith.extui %sign3A_28 : i1 to i32
    %sign3A_30 = arith.constant 0 : i32
    %sign3A_31 = arith.cmpi slt, %jit3A, %sign3A_30 : i32
    %sign3A_32 = arith.extui %sign3A_31 : i1 to i32
    %sign3A_33 = arith.subi %sign3A_29, %sign3A_32 : i32
    %ne3A = vector.broadcast %sign3A_33 : i32 to vector<4x128xi32>
    %ne3A_34 = arith.cmpi ne, %sign3A_26, %ne3A : vector<4x128xi32>
    %rem3A = vector.broadcast %jit3A : i32 to vector<4x128xi32>
    %rem3A_35 = arith.remsi %iota3A_17, %rem3A : vector<4x128xi32>
    %ne3A_36 = arith.constant 0 : i32
    %ne3A_37 = vector.broadcast %ne3A_36 : i32 to vector<4x128xi32>
    %ne3A_38 = arith.cmpi ne, %rem3A_35, %ne3A_37 : vector<4x128xi32>
    %and3A = arith.andi %ne3A_34, %ne3A_38 : vector<4x128xi1>
    %sub3A = arith.constant 1 : i32
    %sub3A_39 = vector.broadcast %sub3A : i32 to vector<4x128xi32>
    %sub3A_40 = arith.subi %div3A_18, %sub3A_39 : vector<4x128xi32>
    %select_n3A = arith.select %and3A, %sub3A_40, %div3A_18 : vector<4x128xi1>, vector<4x128xi32>
    %iota3A_41 = tpu.iota {dimensions = array<i32: 0>} : vector<4x128xi32>
    %eq3A_42 = arith.cmpi eq, %select_n3A, %iota3A_41 : vector<4x128xi32>
    %convert_element_type3A_43 = arith.extui %eq3A_42 : vector<4x128xi1> to vector<4x128xi32>
    %convert_element_type3A_44 = arith.sitofp %convert_element_type3A_43 : vector<4x128xi32> to vector<4x128xf32>
    %get3A_45 = arith.constant 0 : index
    %get3A_46 = arith.constant 0 : index
    %get3A_47 = arith.constant 0 : index
    %get3A_48 = vector.load %arg2[%get3A_45, %get3A_46, %get3A_47] : memref<2x2000x128xf32, #tpu.memory_space<vmem>>, vector<1x2000x128xf32>
    %get3A_49 = vector.shape_cast %get3A_48 : vector<1x2000x128xf32> to vector<2000x128xf32>
    %slice3A = vector.extract_strided_slice %get3A_49 {offsets = [0, 0], sizes = [2000, 48], strides = [1, 1]} : vector<2000x128xf32> to vector<2000x48xf32>
    %slice3A_50 = vector.extract_strided_slice %get3A_49 {offsets = [0, 48], sizes = [2000, 4], strides = [1, 1]} : vector<2000x128xf32> to vector<2000x4xf32>
    %get3A_51 = arith.constant 0 : index
    %get3A_52 = arith.constant 0 : index
    %get3A_53 = arith.constant 0 : index
    %get3A_54 = vector.load %arg1[%get3A_51, %get3A_52, %get3A_53] : memref<2x2000x128xf32, #tpu.memory_space<vmem>>, vector<1x2000x128xf32>
    %get3A_55 = vector.shape_cast %get3A_54 : vector<1x2000x128xf32> to vector<2000x128xf32>
    %get3A_56 = arith.constant 0 : index
    %get3A_57 = arith.constant 0 : index
    %get3A_58 = arith.constant 0 : index
    %get3A_59 = vector.load %arg4[%get3A_56, %get3A_57, %get3A_58] : memref<2x48x128xf32, #tpu.memory_space<vmem>>, vector<1x48x128xf32>
    %get3A_60 = vector.shape_cast %get3A_59 : vector<1x48x128xf32> to vector<48x128xf32>
    %dot_general3A_61 = arith.constant dense<0.000000e+00> : vector<2000x128xf32>
    %dot_general3A_62 = tpu.matmul %slice3A, %get3A_60, %dot_general3A_61 {dimension_numbers = #tpu.dot_dimension_numbers<[1], [0], [0], [1], [0, 0, 1, 1], [], []>, precision = #tpu.contract_precision<fp32>, transpose_lhs_hint = false} : vector<2000x48xf32>, vector<48x128xf32>, vector<2000x128xf32> -> vector<2000x128xf32>
    %add3A_63 = arith.addf %get3A_55, %dot_general3A_62 : vector<2000x128xf32>
    %dot_general3A_64 = arith.constant dense<0.000000e+00> : vector<2000x128xf32>
    %dot_general3A_65 = tpu.matmul %slice3A_50, %convert_element_type3A_44, %dot_general3A_64 {dimension_numbers = #tpu.dot_dimension_numbers<[1], [0], [0], [1], [0, 0, 1, 1], [], []>, precision = #tpu.contract_precision<fp32>, transpose_lhs_hint = false} : vector<2000x4xf32>, vector<4x128xf32>, vector<2000x128xf32> -> vector<2000x128xf32>
    %add3A_66 = arith.constant 1.000000e-16 : f32
    %add3A_67 = vector.broadcast %add3A_66 : f32 to vector<2000x128xf32>
    %add3A_68 = arith.addf %dot_general3A_65, %add3A_67 : vector<2000x128xf32>
    %div3A_69 = arith.divf %add3A_63, %add3A_68 : vector<2000x128xf32>
    %get3A_70 = arith.constant 0 : index
    %get3A_71 = arith.constant 0 : index
    %get3A_72 = arith.constant 0 : index
    %get3A_73 = vector.load %arg3[%get3A_70, %get3A_71, %get3A_72] : memref<2x2000x128xf32, #tpu.memory_space<vmem>>, vector<1x2000x128xf32>
    %get3A_74 = vector.shape_cast %get3A_73 : vector<1x2000x128xf32> to vector<2000x128xf32>
    %add3A_75 = arith.addf %div3A_69, %get3A_74 : vector<2000x128xf32>
    %max3A = arith.constant 0.000000e+00 : f32
    %max3A_76 = vector.broadcast %max3A : f32 to vector<2000x128xf32>
    %max3A_77 = arith.maximumf %add3A_75, %max3A_76 : vector<2000x128xf32>
    %get3A_78 = arith.constant 0 : index
    %get3A_79 = arith.constant 0 : index
    %get3A_80 = arith.constant 0 : index
    %get3A_81 = vector.load %arg6[%get3A_78, %get3A_79, %get3A_80] : memref<2x64x128xf32, #tpu.memory_space<vmem>>, vector<1x64x128xf32>
    %get3A_82 = vector.shape_cast %get3A_81 : vector<1x64x128xf32> to vector<64x128xf32>
    %dot_general3A_83 = arith.constant dense<0.000000e+00> : vector<64x128xf32>
    %dot_general3A_84 = tpu.matmul %convert_element_type3A_9, %max3A_77, %dot_general3A_83 {dimension_numbers = #tpu.dot_dimension_numbers<[1], [0], [0], [1], [0, 0, 1, 1], [], []>, precision = #tpu.contract_precision<fp32>, transpose_lhs_hint = false} : vector<64x2000xf32>, vector<2000x128xf32>, vector<64x128xf32> -> vector<64x128xf32>
    %add3A_85 = arith.addf %get3A_82, %dot_general3A_84 : vector<64x128xf32>
    %swap3A_86 = arith.constant 0 : index
    %swap3A_87 = arith.constant 0 : index
    %swap3A_88 = arith.constant 0 : index
    %swap3A_89 = vector.load %arg6[%swap3A_86, %swap3A_87, %swap3A_88] : memref<2x64x128xf32, #tpu.memory_space<vmem>>, vector<1x64x128xf32>
    %swap3A_90 = vector.shape_cast %swap3A_89 : vector<1x64x128xf32> to vector<64x128xf32>
    %swap3A_91 = vector.shape_cast %add3A_85 : vector<64x128xf32> to vector<1x64x128xf32>
    tpu.vector_store %arg6[%swap3A_86, %swap3A_87, %swap3A_88], %swap3A_91 {strides = array<i32>} : memref<2x64x128xf32, #tpu.memory_space<vmem>>, vector<1x64x128xf32>,
    %get3A_92 = arith.constant 1 : index
    %get3A_93 = arith.constant 0 : index
    %get3A_94 = arith.constant 0 : index
    %get3A_95 = vector.load %arg2[%get3A_92, %get3A_93, %get3A_94] : memref<2x2000x128xf32, #tpu.memory_space<vmem>>, vector<1x2000x128xf32>
    %get3A_96 = vector.shape_cast %get3A_95 : vector<1x2000x128xf32> to vector<2000x128xf32>
    %slice3A_97 = vector.extract_strided_slice %get3A_96 {offsets = [0, 0], sizes = [2000, 48], strides = [1, 1]} : vector<2000x128xf32> to vector<2000x48xf32>
    %slice3A_98 = vector.extract_strided_slice %get3A_96 {offsets = [0, 48], sizes = [2000, 4], strides = [1, 1]} : vector<2000x128xf32> to vector<2000x4xf32>
    %get3A_99 = arith.constant 1 : index
    %get3A_100 = arith.constant 0 : index
    %get3A_101 = arith.constant 0 : index
    %get3A_102 = vector.load %arg1[%get3A_99, %get3A_100, %get3A_101] : memref<2x2000x128xf32, #tpu.memory_space<vmem>>, vector<1x2000x128xf32>
    %get3A_103 = vector.shape_cast %get3A_102 : vector<1x2000x128xf32> to vector<2000x128xf32>
    %get3A_104 = arith.constant 1 : index
    %get3A_105 = arith.constant 0 : index
    %get3A_106 = arith.constant 0 : index
    %get3A_107 = vector.load %arg4[%get3A_104, %get3A_105, %get3A_106] : memref<2x48x128xf32, #tpu.memory_space<vmem>>, vector<1x48x128xf32>
    %get3A_108 = vector.shape_cast %get3A_107 : vector<1x48x128xf32> to vector<48x128xf32>
    %dot_general3A_109 = arith.constant dense<0.000000e+00> : vector<2000x128xf32>
    %dot_general3A_110 = tpu.matmul %slice3A_97, %get3A_108, %dot_general3A_109 {dimension_numbers = #tpu.dot_dimension_numbers<[1], [0], [0], [1], [0, 0, 1, 1], [], []>, precision = #tpu.contract_precision<fp32>, transpose_lhs_hint = false} : vector<2000x48xf32>, vector<48x128xf32>, vector<2000x128xf32> -> vector<2000x128xf32>
    %add3A_111 = arith.addf %get3A_103, %dot_general3A_110 : vector<2000x128xf32>
    %dot_general3A_112 = arith.constant dense<0.000000e+00> : vector<2000x128xf32>
    %dot_general3A_113 = tpu.matmul %slice3A_98, %convert_element_type3A_44, %dot_general3A_112 {dimension_numbers = #tpu.dot_dimension_numbers<[1], [0], [0], [1], [0, 0, 1, 1], [], []>, precision = #tpu.contract_precision<fp32>, transpose_lhs_hint = false} : vector<2000x4xf32>, vector<4x128xf32>, vector<2000x128xf32> -> vector<2000x128xf32>
    %add3A_114 = arith.constant 1.000000e-16 : f32
    %add3A_115 = vector.broadcast %add3A_114 : f32 to vector<2000x128xf32>
    %add3A_116 = arith.addf %dot_general3A_113, %add3A_115 : vector<2000x128xf32>
    %div3A_117 = arith.divf %add3A_111, %add3A_116 : vector<2000x128xf32>
    %get3A_118 = arith.constant 1 : index
    %get3A_119 = arith.constant 0 : index
    %get3A_120 = arith.constant 0 : index
    %get3A_121 = vector.load %arg3[%get3A_118, %get3A_119, %get3A_120] : memref<2x2000x128xf32, #tpu.memory_space<vmem>>, vector<1x2000x128xf32>
    %get3A_122 = vector.shape_cast %get3A_121 : vector<1x2000x128xf32> to vector<2000x128xf32>
    %add3A_123 = arith.addf %div3A_117, %get3A_122 : vector<2000x128xf32>
    %max3A_124 = arith.constant 0.000000e+00 : f32
    %max3A_125 = vector.broadcast %max3A_124 : f32 to vector<2000x128xf32>
    %max3A_126 = arith.maximumf %add3A_123, %max3A_125 : vector<2000x128xf32>
    %get3A_127 = arith.constant 1 : index
    %get3A_128 = arith.constant 0 : index
    %get3A_129 = arith.constant 0 : index
    %get3A_130 = vector.load %arg6[%get3A_127, %get3A_128, %get3A_129] : memref<2x64x128xf32, #tpu.memory_space<vmem>>, vector<1x64x128xf32>
    %get3A_131 = vector.shape_cast %get3A_130 : vector<1x64x128xf32> to vector<64x128xf32>
    %dot_general3A_132 = arith.constant dense<0.000000e+00> : vector<64x128xf32>
    %dot_general3A_133 = tpu.matmul %convert_element_type3A_9, %max3A_126, %dot_general3A_132 {dimension_numbers = #tpu.dot_dimension_numbers<[1], [0], [0], [1], [0, 0, 1, 1], [], []>, precision = #tpu.contract_precision<fp32>, transpose_lhs_hint = false} : vector<64x2000xf32>, vector<2000x128xf32>, vector<64x128xf32> -> vector<64x128xf32>
    %add3A_134 = arith.addf %get3A_131, %dot_general3A_133 : vector<64x128xf32>
    %swap3A_135 = arith.constant 1 : index
    %swap3A_136 = arith.constant 0 : index
    %swap3A_137 = arith.constant 0 : index
    %swap3A_138 = vector.load %arg6[%swap3A_135, %swap3A_136, %swap3A_137] : memref<2x64x128xf32, #tpu.memory_space<vmem>>, vector<1x64x128xf32>
    %swap3A_139 = vector.shape_cast %swap3A_138 : vector<1x64x128xf32> to vector<64x128xf32>
    %swap3A_140 = vector.shape_cast %add3A_134 : vector<64x128xf32> to vector<1x64x128xf32>
    tpu.vector_store %arg6[%swap3A_135, %swap3A_136, %swap3A_137], %swap3A_140 {strides = array<i32>} : memref<2x64x128xf32, #tpu.memory_space<vmem>>, vector<1x64x128xf32>,
    return
  }
  func.func @transform_0(%arg0: i32) -> (i32, i32, i32) {
    %c0_i32 = arith.constant 0 : i32
    %c0_i32_0 = arith.constant 0 : i32
    %c0_i32_1 = arith.constant 0 : i32
    return %c0_i32, %arg0, %c0_i32_0 : i32, i32, i32
  }
  func.func @transform_1(%arg0: i32) -> (i32, i32, i32) {
    %c0_i32 = arith.constant 0 : i32
    %c0_i32_0 = arith.constant 0 : i32
    %c0_i32_1 = arith.constant 0 : i32
    return %c0_i32, %arg0, %c0_i32_0 : i32, i32, i32
  }
  func.func @transform_2(%arg0: i32) -> (i32, i32, i32) {
    %c0_i32 = arith.constant 0 : i32
    %c0_i32_0 = arith.constant 0 : i32
    %c0_i32_1 = arith.constant 0 : i32
    return %c0_i32, %arg0, %c0_i32_0 : i32, i32, i32
  }
  func.func @transform_3(%arg0: i32) -> (i32, i32, i32) {
    %c0_i32 = arith.constant 0 : i32
    %c0_i32_0 = arith.constant 0 : i32
    %c0_i32_1 = arith.constant 0 : i32
    %c0_i32_2 = arith.constant 0 : i32
    return %c0_i32, %c0_i32_0, %c0_i32_1 : i32, i32, i32
  }
  func.func @transform_4(%arg0: i32) -> (i32, i32, i32) {
    %c0_i32 = arith.constant 0 : i32
    %c0_i32_0 = arith.constant 0 : i32
    %c0_i32_1 = arith.constant 0 : i32
    return %arg0, %c0_i32, %c0_i32_0 : i32, i32, i32
  }
  func.func @transform_5(%arg0: i32) -> (i32, i32, i32) {
    %c0_i32 = arith.constant 0 : i32
    %c0_i32_0 = arith.constant 0 : i32
    %c0_i32_1 = arith.constant 0 : i32
    %c0_i32_2 = arith.constant 0 : i32
    return %c0_i32, %c0_i32_0, %c0_i32_1 : i32, i32, i32
  }
  func.func @transform_6(%arg0: i32) -> (i32, i32) {
    %c0_i32 = arith.constant 0 : i32
    %c0_i32_0 = arith.constant 0 : i32
    %c0_i32_1 = arith.constant 0 : i32
    return %c0_i32, %c0_i32_0 : i32, i32
  }
}

module attributes {stable_mosaic.version = 14 : i64} {
  func.func @_logits_body(%arg0: memref<2x64x128xf32, #tpu.memory_space<vmem>>, %arg1: memref<64x1xf32, #tpu.memory_space<vmem>>, %arg2: memref<2x128x1xf32, #tpu.memory_space<vmem>>, %arg3: memref<1x1xf32, #tpu.memory_space<vmem>>, %arg4: memref<64x1xf32, #tpu.memory_space<vmem>>) attributes {dimension_semantics = [], scalar_prefetch = 0 : i64, scratch_operands = 0 : i64, tpu.core_type = #tpu.core_type<tc>} {
    %get3A = arith.constant 0 : index
    %get3A_0 = arith.constant 0 : index
    %get3A_1 = vector.load %arg1[%get3A, %get3A_0] : memref<64x1xf32, #tpu.memory_space<vmem>>, vector<64x1xf32>
    %max3A = arith.constant 1.000000e+00 : f32
    %max3A_2 = vector.broadcast %max3A : f32 to vector<64x1xf32>
    %max3A_3 = arith.maximumf %get3A_1, %max3A_2 : vector<64x1xf32>
    %div3A = arith.constant 1.000000e+00 : f32
    %div3A_4 = vector.broadcast %div3A : f32 to vector<64x1xf32>
    %div3A_5 = arith.divf %div3A_4, %max3A_3 : vector<64x1xf32>
    %get3A_6 = arith.constant 0 : index
    %get3A_7 = arith.constant 0 : index
    %get3A_8 = arith.constant 0 : index
    %get3A_9 = vector.load %arg0[%get3A_6, %get3A_7, %get3A_8] : memref<2x64x128xf32, #tpu.memory_space<vmem>>, vector<1x64x128xf32>
    %get3A_10 = vector.shape_cast %get3A_9 : vector<1x64x128xf32> to vector<64x128xf32>
    %mul3A = vector.broadcast %div3A_5 : vector<64x1xf32> to vector<64x128xf32>
    %mul3A_11 = arith.mulf %get3A_10, %mul3A : vector<64x128xf32>
    %get3A_12 = arith.constant 0 : index
    %get3A_13 = arith.constant 0 : index
    %get3A_14 = arith.constant 0 : index
    %get3A_15 = vector.load %arg2[%get3A_12, %get3A_13, %get3A_14] : memref<2x128x1xf32, #tpu.memory_space<vmem>>, vector<1x128x1xf32>
    %get3A_16 = vector.shape_cast %get3A_15 : vector<1x128x1xf32> to vector<128x1xf32>
    %dot_general3A = arith.constant dense<0.000000e+00> : vector<64x1xf32>
    %dot_general3A_17 = tpu.matmul %mul3A_11, %get3A_16, %dot_general3A {dimension_numbers = #tpu.dot_dimension_numbers<[1], [0], [0], [1], [0, 0, 1, 1], [], []>, precision = #tpu.contract_precision<fp32>, transpose_lhs_hint = false} : vector<64x128xf32>, vector<128x1xf32>, vector<64x1xf32> -> vector<64x1xf32>
    %get3A_18 = arith.constant 1 : index
    %get3A_19 = arith.constant 0 : index
    %get3A_20 = arith.constant 0 : index
    %get3A_21 = vector.load %arg0[%get3A_18, %get3A_19, %get3A_20] : memref<2x64x128xf32, #tpu.memory_space<vmem>>, vector<1x64x128xf32>
    %get3A_22 = vector.shape_cast %get3A_21 : vector<1x64x128xf32> to vector<64x128xf32>
    %mul3A_23 = vector.broadcast %div3A_5 : vector<64x1xf32> to vector<64x128xf32>
    %mul3A_24 = arith.mulf %get3A_22, %mul3A_23 : vector<64x128xf32>
    %get3A_25 = arith.constant 1 : index
    %get3A_26 = arith.constant 0 : index
    %get3A_27 = arith.constant 0 : index
    %get3A_28 = vector.load %arg2[%get3A_25, %get3A_26, %get3A_27] : memref<2x128x1xf32, #tpu.memory_space<vmem>>, vector<1x128x1xf32>
    %get3A_29 = vector.shape_cast %get3A_28 : vector<1x128x1xf32> to vector<128x1xf32>
    %dot_general3A_30 = arith.constant dense<0.000000e+00> : vector<64x1xf32>
    %dot_general3A_31 = tpu.matmul %mul3A_24, %get3A_29, %dot_general3A_30 {dimension_numbers = #tpu.dot_dimension_numbers<[1], [0], [0], [1], [0, 0, 1, 1], [], []>, precision = #tpu.contract_precision<fp32>, transpose_lhs_hint = false} : vector<64x128xf32>, vector<128x1xf32>, vector<64x1xf32> -> vector<64x1xf32>
    %add3A = arith.addf %dot_general3A_17, %dot_general3A_31 : vector<64x1xf32>
    %get3A_32 = arith.constant 0 : index
    %get3A_33 = arith.constant 0 : index
    %get3A_34 = vector.load %arg3[%get3A_32, %get3A_33] : memref<1x1xf32, #tpu.memory_space<vmem>>, vector<1x1xf32>
    %get3A_35 = vector.extract %get3A_34[0, 0] : f32 from vector<1x1xf32>
    %add3A_36 = vector.broadcast %get3A_35 : f32 to vector<64x1xf32>
    %add3A_37 = arith.addf %add3A, %add3A_36 : vector<64x1xf32>
    %swap3A = arith.constant 0 : index
    %swap3A_38 = arith.constant 0 : index
    %swap3A_39 = vector.load %arg4[%swap3A, %swap3A_38] : memref<64x1xf32, #tpu.memory_space<vmem>>, vector<64x1xf32>
    tpu.vector_store %arg4[%swap3A, %swap3A_38], %add3A_37 {strides = array<i32>} : memref<64x1xf32, #tpu.memory_space<vmem>>, vector<64x1xf32>,
    return
  }
}

</mosaic_0001>

<sc_bundles>
// kernel: kernel.10.cloned.1.call-start
scs
__scs_entry_jumppad:
0x0: {  	(pc) =	sbr.rel $0x88, $3  }
0x1: {  	(tag) =	ssettag $0x0;
	lr =	simm.s32 $0x1  }
0x2: {  	[smem:$0x3F95] =	sst lr;
	_ =	strace $0xD0000000  }
0x3: {  	_ = 	snop  }
0x4: {  	_ = 	snop  }
0x5: {  	_ = 	snop  }
0x6: {  	_ = 	snop  }
0x7: {  	_ = 	snop  }
__scs_overlays_trampoline_lowered:
0x8: {  	[smem:$0x3FA4] =	sst s0  }
0x9: {  	[smem:$0x3FA5] =	sst s1  }
0xa: {  	[smem:$0x3FA6] =	sst s2  }
0xb: {  	[smem:$0x3FA7] =	sst s3  }
0xc: {  	[smem:$0x3FA8] =	sst s4  }
0xd: {  	[smem:$0x3FA9] =	sst s5  }
0xe: {  	[smem:$0x3FAA] =	sst s6  }
0xf: {  	[smem:$0x3FAB] =	sst s7  }
0x10: {  	[smem:$0x3FAC] =	sst s8  }
0x11: {  	[smem:$0x3FAD] =	sst s9;
	s0 =	simm.s32 @!p0 $0x0  }
0x12: {  	s1 =	sld [smem:$0x3F93];
	s0 =	simm.s32 @p0 $0x1  }
0x13: {  	[smem:$0x3FAE] =	sst s0;
	s0 =	simm.s32 @!p1 $0x0  }
0x14: {  	s2 =	sld [smem:$0x3F92];
	s0 =	simm.s32 @p1 $0x1  }
0x15: {  	[smem:$0x3FAF] =	sst s0;
	s0 =	simm.s32 @!p2 $0x0  }
0x16: {  	s3 =	sld [smem:$0x3FDB];
	s0 =	simm.s32 @p2 $0x1  }
0x17: {  	s4 =	simm.s32 $0x1BF5;
	[smem:$0x3FB1] =	sst s0  }
0x18: {  	s0 =	sld [smem:$0x3F94];
	_ =	swait.ge [sflag:s4], $0x0  }
0x19: {  	s7 =	sld [smem:$0x3F95]  }
0x1a: {  	s8 =	sadd.s32 $0xFFFFE003, lr  }
0x1b: {  	s9 =	sadd.s32 $0xFFFFFEF7, lr;
	s5 =	simm.s32 $0xFFFFFFFF;
	p2 =	slt.u32 s8, $0xFFFFF086  }
0x1c: {  	p1 =	slt.u32 s9, $0xF7A;
	s5 =	simm.s32 @!p2 $0x0  }
0x1d: {  	s5 =	simm.s32 @p1 $0x1;
	p0 =	seq.s32 s7, s2  }
0x1e: {  	s7 =	smul.u32 @!p0 $0xF7A, s2;
	p2 =	seq.s32 @!p0 s5, $0x0  }
0x1f: {  	s9 =	smul.u32 $0xF7A, s1;
	s8 =	simm.s32 @!p0 $0x1BF5;
	p2 =	por !p2, p0  }
0x20: {  	[sflag:s8] =	ssyncset.s32 @!p0 $0xFFFFF086;
	s6 =	sadd.s32 @!p0 s3, s7;
	s7 =	simm.s32 @!p0 $0x108  }
0x21: {  	s3 =	sadd.s32 s3, s9;
	s6 =	sadd.s32 @!p0 $0x88, s6;
	s7 =	simm.s32 @p2 $0x1082  }
0x22: {  	[simem:s7], [sflag:s8] =	dma.local @!p0 [hbm:s6], $0xF7A  }
0x23: {  	s9 =	sor.u32 $0xD0000000, s2;
	s6 =	simm.s32 $0x108;
	_ =	swait.ge @!p0 [sflag:s8], $0x0  }
0x24: {  	s3 =	sadd.s32 $0x88, s3;
	s6 =	simm.s32 @!p1 $0x1082;
	[sflag:s4] =	ssyncset.s32 $0xFFFFF086  }
0x25: {  	[simem:s6], [sflag:s4] =	dma.local [hbm:s3], $0xF7A  }
0x26: {  	[smem:$0x3F95] =	sst s1;
	(tag) =	ssettag s2;
	_ =	strace s9  }
0x27: {  	s1 =	sld [smem:$0x3FA5]  }
0x28: {  	s2 =	sld [smem:$0x3FA6]  }
0x29: {  	s4 =	sld [smem:$0x3FA8]  }
0x2a: {  	p0 =	seq.s32 s5, $0x0;
	s5 =	sld [smem:$0x3FA9]  }
0x2b: {  	s6 =	sld [smem:$0x3FAA]  }
0x2c: {  	s7 =	sld [smem:$0x3FAB]  }
0x2d: {  	s3 =	simm.s32 $0x108;
	s8 =	sld [smem:$0x3FAC]  }
0x2e: {  	s3 =	simm.s32 @!p0 $0x1082;
	s9 =	sld [smem:$0x3FAD]  }
0x2f: {  	lr =	sadd.s32 s0, s3;
	s0 =	sld [smem:$0x3FA4]  }
0x30: {  	s3 =	sld [smem:$0x3FA7]  }
0x31: {  	[smem:$0x3FB0] =	sst s10  }
0x32: {  	s10 =	sld [smem:$0x3FAE];
	_ =	sdelay $0x3  }
0x33: {  	p0 =	seq.s32 s10, $0x1;
	s10 =	sld [smem:$0x3FB0];
	_ =	sdelay $0x3  }
0x34: {  	[smem:$0x3FB0] =	sst s10  }
0x35: {  	s10 =	sld [smem:$0x3FAF];
	_ =	sdelay $0x3  }
0x36: {  	p1 =	seq.s32 s10, $0x1;
	s10 =	sld [smem:$0x3FB0];
	_ =	sdelay $0x3  }
0x37: {  	[smem:$0x3FB0] =	sst s10  }
0x38: {  	s10 =	sld [smem:$0x3FB1]  }
0x39: {  	_ = 	snop;
	(pc) =	sbr.ind lr, $3  }
0x3a: {  	_ = 	snop  }
0x3b: {  	_ = 	snop  }
0x3c: {  	p2 =	seq.s32 s10, $0x1;
	s10 =	sld [smem:$0x3FB0]  }
0x3d: {  	_ =	shalt  }
0x3e: {  	_ =	shalt  }
0x3f: {  	_ =	shalt  }
0x40: {  	_ =	shalt  }
0x41: {  	_ =	shalt  }
0x42: {  	_ =	shalt  }
0x43: {  	_ =	shalt  }
0x44: {  	_ =	shalt  }
0x45: {  	_ =	shalt  }
0x46: {  	_ =	shalt  }
0x47: {  	_ =	shalt  }
0x48: {  	_ =	shalt  }
0x49: {  	_ =	shalt  }
0x4a: {  	_ =	shalt  }
0x4b: {  	_ =	shalt  }
0x4c: {  	_ =	shalt  }
0x4d: {  	_ =	shalt  }
0x4e: {  	_ =	shalt  }
0x4f: {  	_ =	shalt  }
0x50: {  	_ =	shalt  }
0x51: {  	_ =	shalt  }
0x52: {  	_ =	shalt  }
0x53: {  	_ =	shalt  }
0x54: {  	_ =	shalt  }
0x55: {  	_ =	shalt  }
0x56: {  	_ =	shalt  }
0x57: {  	_ =	shalt  }
0x58: {  	_ =	shalt  }
0x59: {  	_ =	shalt  }
0x5a: {  	_ =	shalt  }
0x5b: {  	_ =	shalt  }
0x5c: {  	_ =	shalt  }
0x5d: {  	_ =	shalt  }
0x5e: {  	_ =	shalt  }
0x5f: {  	_ =	shalt  }
0x60: {  	_ =	shalt  }
0x61: {  	_ =	shalt  }
0x62: {  	_ =	shalt  }
0x63: {  	_ =	shalt  }
0x64: {  	_ =	shalt  }
0x65: {  	_ =	shalt  }
0x66: {  	_ =	shalt  }
0x67: {  	_ =	shalt  }
0x68: {  	_ =	shalt  }
0x69: {  	_ =	shalt  }
0x6a: {  	_ =	shalt  }
0x6b: {  	_ =	shalt  }
0x6c: {  	_ =	shalt  }
0x6d: {  	_ =	shalt  }
0x6e: {  	_ =	shalt  }
0x6f: {  	_ =	shalt  }
0x70: {  	_ =	shalt  }
0x71: {  	_ =	shalt  }
0x72: {  	_ =	shalt  }
0x73: {  	_ =	shalt  }
0x74: {  	_ =	shalt  }
0x75: {  	_ =	shalt  }
0x76: {  	_ =	shalt  }
0x77: {  	_ =	shalt  }
0x78: {  	_ =	shalt  }
0x79: {  	_ =	shalt  }
0x7a: {  	_ =	shalt  }
0x7b: {  	_ =	shalt  }
0x7c: {  	_ =	shalt  }
0x7d: {  	_ =	shalt  }
0x7e: {  	_ =	shalt  }
0x7f: {  	_ =	shalt  }
0x80: {  	_ =	shalt  }
0x81: {  	_ =	shalt  }
0x82: {  	_ =	shalt  }
0x83: {  	_ =	shalt  }
0x84: {  	_ =	shalt  }
0x85: {  	_ =	shalt  }
0x86: {  	_ =	shalt  }
0x87: {  	_ =	shalt  }
.Lfunc_end0:
.L_simem_size_0:
called_computation_lowered:
.L_overlay_start_0:
0x88: {  	s2 =	sld [smem:$0x3FD9]  }
0x89: {  	s3 =	sld [smem:$0x3FFE];
	_ =	sdelay $0x1  }
0x8a: {  	s1 =	srdreg.scid  }
0x8b: {  	s0 =	sand.u32 $0x1, s1  }
0x8c: {  	s16 =	sshll.u32 s0, $0xA;
	s2 =	sadd.s32 s3, s2  }
0x8d: {  	s2 =	sadd.s32 s2, s16  }
0x8e: {  	[smem:$0x3FBC] =	sst s2  }
0x8f: {  	_ = 	snop  }
0x90: {  	(tm) =	ssettm $0x1  }
0x91: {  	s17 =	sld [smem:$0x3FFB];
	_ =	sdelay $0x3  }
0x92: {  	_ =	strace s17  }
0x93: {  	s2 =	sld [smem:$0x3FFC];
	_ =	sdelay $0x3  }
0x94: {  	_ =	strace s2  }
0x95: {  	s2 =	sld [smem:$0x3FFD];
	_ =	sdelay $0x3  }
0x96: {  	_ =	strace s2  }
0x97: {  	_ =	strace $0x8FFFFFFF  }
0x98: {  	s18 =	sld [smem:$0x3FDB];
	_ =	sdelay $0x1  }
0x99: {  	s19 =	simm.s32 $_scs_section_size  }
0x9a: {  	s4 =	simm.s32 $_size__tile_overlayer_lowered;
	s5 =	simm.s32 $_tile_overlayer_lowered  }
0x9b: {  	s22 =	simm.s32 $0x1BFF;
	s21 =	sshll.u32 s5, $0x1;
	s2 =	sadd.s32 s19, s18  }
0x9c: {  	s6 =	simm.s32 $0x0;
	s20 =	sshll.u32 s4, $0x1;
	s4 =	sadd.s32 s21, s2  }
0x9d: {  	[timem:s6], [sflag:s22] =	dma.local [hbm:s4], s20  }
0x9e: {  	_ =	swait.ge [sflag:s22], s20  }
0x9f: {  	s3 =	ssub.s32 $0x0, s20;
	[sflag:s22] =	ssyncset.done $0x0  }
0xa0: {  	[sflag:s22] =	ssyncadd.s32 s3;
	_ =	sdelay $0x1  }
0xa1: {  	s23 =	simm.s32 $0x1B8B  }
0xa2: {  	_ =	swait.ge [sflag:s23], $0x1  }
0xa3: {  	[sflag:s23] =	ssyncset.done $0x0  }
0xa4: {  	s25 =	simm.s32 $0x1B8E;
	s24 =	sld [smem:$0x3FFE];
	[sflag:s23] =	ssyncadd.s32 $0xFFFFFFFF  }
0xa5: {  	s26 =	simm.s32 $execute0_lowered;
	[smem:$0x3FD2] =	sst s25  }
0xa6: {  	s4 =	sshll.u32 s26, $0x1;
	_ =	strace $0x80000046;
	[dreg:$0x1] =	wrdreg $0xFFFFFFFF  }
0xa7: {  	s28 =	simm.s32 $_size_execute0_lowered;
	s2 =	sadd.s32 s2, s4;
	[dreg:$0x0] =	wrdreg $0x0  }
0xa8: {  	s4 =	sshll.u32 s28, $0x1;
	[dreg:$0x2] =	wrdreg s2  }
0xa9: {  	[dreg:$0x3] =	wrdreg s4  }
0xaa: {  	[dreg:$0x4] =	wrdreg $0xC0  }
0xab: {  	_ =	task [dreg:s6], $0x5FFFF  }
0xac: {  	[dreg:$0x1] =	wrdreg $0xFFFFFFFF  }
0xad: {  	[dreg:$0x0] =	wrdreg $0x60  }
0xae: {  	[dreg:$0x2] =	wrdreg s24  }
0xaf: {  	[dreg:$0x3] =	wrdreg $0x9  }
0xb0: {  	_ =	task.clear_ibuf [dreg:s6], $0x4FFFF;
	_ =	strace $0x90000046  }
0xb1: {  	s29 =	simm.s32 $0x9;
	_ =	strace $0x80000048  }
0xb2: {  	_ =	swait.ge [sflag:s29], $0x1  }
0xb3: {  	[sflag:s29] =	ssyncadd.s32 $0xFFFFFFFF  }
0xb4: {  	_ =	strace $0x90000048  }
0xb5: {  	_ =	sfence  }
0xb6: {  	s30 =	sld [smem:$0x0];
	_ =	sdelay $0x2  }
0xb7: {  	s31 =	sshll.u32 s1, $0xD;
	s1 =	sshrl.u32 s1, $0x2  }
0xb8: {  	s3 =	sand.u32 $0x4000, s31;
	s1 =	sadd.s32 s1, s30  }
0xb9: {  	s0 =	sor.u32 s3, s0;
	s1 =	sshll.u32 s1, $0x11  }
0xba: {  	s0 =	sor.u32 s1, s0  }
0xbb: {  	s0 =	sadd.s32 $0x8F2B, s0  }
0xbc: {  	[sflag:s0] =	ssyncadd.remote.s32 $0x1  }
0xbd: {  	_ =	sfence.sel $0xFFFF  }
0xbe: {  	[dreg:$0x0] =	wrdreg $0xFFFFFFFF;
	(pc) =	sbr.abs _section_cstart, $3  }
0xbf: {  	[dreg:$0x1] =	wrdreg $0xFFFFFFFF  }
0xc0: {  	_ =	task.clear_ibuf [dreg:s6], $0x2FFFF;
	_ =	strace $0x9FFFFFFF  }
0xc1: {  	(tm) =	ssettm $0x7FFFFFFF  }
tec
execute0_lowered:
.L_overlay_start_1:
0x0: {  	(tag) =	ssettag $0x1  }
0x1: {  	s7 =	rddreg [dreg:$0x0]  }
0x2: {  	s0 =	rddreg [dreg:$0x1]  }
0x3: {  	s3 =	srdreg.scid;
	s1 =	stileid.u32  }
0x4: {  	s2 =	simm.s32 $0x0;
	s14 =	simm.s32 $0x5;
	s15 =	simm.s32 $0x80  }
0x5: {  	s16 =	simm.s32 $0x100;
	s17 =	simm.s32 $0x4100;
	s18 =	simm.s32 $0x8100  }
0x6: {  	s19 =	simm.s32 $0xC100;
	s20 =	simm.s32 $0x1;
	s21 =	simm.s32 $0x2  }
0x7: {  	s22 =	simm.s32 $0x3;
	s23 =	simm.s32 $0x4;
	s9 =	smul.u32 $0x2780, s1  }
0x8: {  	s24 =	simm.s32 $0x0;
	s8 =	sand.u32 $0x1, s3;
	s10 =	smul.u32 $0x13C000, s1  }
0x9: {  	[smem:$0x7FF] =	sst s2;
	s3 =	sadd.s32 $0x154400, s7;
	s6 =	smul.u32 $0x13C0000, s8  }
0xa: {  	s4 =	sadd.s32 $0x1BC00, s7;
	s5 =	sadd.s32 $0x69E00, s7;
	s11 =	smul.u32 $0x27800, s8  }
0xb: {  	_ =	strace $0x80000047;
	s8 =	ssub.s32 $0x2, s8;
	s10 =	sadd.s32 s10, s6  }
0xc: {  	s30 =	sshrl.u32 s8, $0x1;
	s9 =	sadd.s32 s9, s11;
	s10 =	sshrl.u32 s10, $0x3  }
0xd: {  	s6 =	sadd.s32 $0xB8000, s7;
	s9 =	sshrl.u32 s9, $0x3;
	s29 =	sadd.s32 s10, s7  }
0xe: {  	s31 =	ssub.s32 s8, s30;
	s13 =	sadd.s32 s9, s7;
	s7 =	sadd.s32 $0xB82600, s29  }
0xf: {  	s10 =	smax.u32 s31, $0x1;
	s8 =	sadd.s32 $0x1072600, s29;
	s9 =	sadd.s32 $0x692600, s29  }
0x10: {  	s11 =	sadd.s32 $0x1A2600, s29;
	s12 =	sadd.s32 $0x11E00, s13;
	s13 =	sadd.s32 $0x8000, s13  }
.LBB2_1:
0x11: {  	[tilespmem:s2], [sflag:$0x5] =	stream.linear.gather [hbm4b:s13+s2], $0x80, $0x38;
	[tilespmem:$0x10100] =	vst v63  }
0x12: {  	_ =	swait.ge [sflag:s14], $0x80  }
0x13: {  	[sflag:s14] =	ssyncset.done $0x0  }
0x14: {  	[sflag:s14] =	ssyncadd.s32 $0xFFFFFF80  }
0x15: {  	[tilespmem:s15], [sflag:$0x5] =	stream.linear.gather [hbm4b:s12+s2], $0x80, $0x38;
	[tilespmem:$0x10100] =	vst v63  }
0x16: {  	_ =	swait.ge [sflag:s14], $0x80  }
0x17: {  	[sflag:s14] =	ssyncset.done $0x0  }
0x18: {  	[sflag:s14] =	ssyncadd.s32 $0xFFFFFF80  }
0x19: {  	[tilespmem:s16], [sflag:$0x1] =	stream.indirect.gather [hbm4b:s3+s15], $0x80, s2, s15, $0xb8;
	[tilespmem:$0x10100] =	vst v63  }
0x1a: {  	_ = 	snop  }
0x1b: {  	[tilespmem:s17], [sflag:$0x2] =	stream.indirect.gather [hbm4b:s4+s15], $0x80, s15, s15, $0xb8;
	[tilespmem:$0x10100] =	vst v63  }
0x1c: {  	_ = 	snop  }
0x1d: {  	[tilespmem:s18], [sflag:$0x3] =	stream.indirect.gather [hbm4b:s5+s15], $0x80, s15, s15, $0xb8;
	[tilespmem:$0x10100] =	vst v63  }
0x1e: {  	_ = 	snop  }
0x1f: {  	[tilespmem:s19], [sflag:$0x4] =	stream.indirect.gather [hbm4b:s6+s15], $0x80, s2, s15, $0xb8;
	[tilespmem:$0x10100] =	vst v63  }
0x20: {  	_ =	swait.ge [sflag:s20], $0x4000  }
0x21: {  	[sflag:s20] =	ssyncset.done $0x0  }
0x22: {  	[sflag:s20] =	ssyncadd.s32 $0xFFFFC000  }
0x23: {  	_ =	swait.ge [sflag:s21], $0x4000  }
0x24: {  	[sflag:s21] =	ssyncset.done $0x0  }
0x25: {  	[sflag:s21] =	ssyncadd.s32 $0xFFFFC000  }
0x26: {  	_ =	swait.ge [sflag:s22], $0x4000  }
0x27: {  	[sflag:s22] =	ssyncset.done $0x0  }
0x28: {  	[sflag:s22] =	ssyncadd.s32 $0xFFFFC000  }
0x29: {  	_ =	swait.ge [sflag:s23], $0x4000  }
0x2a: {  	[sflag:s23] =	ssyncset.done $0x0  }
0x2b: {  	s25 =	sadd.s32 $0x0, s11;
	[sflag:s23] =	ssyncadd.s32 $0xFFFFC000  }
0x2c: {  	[hbm4b:s25+s2] =	stream.linear.scatter [tilespmem:s16], [sflag:$0x5], $0x4000, $0x38;
	[tilespmem:$0x10100] =	vst v63  }
0x2d: {  	_ =	swait.ge [sflag:s14], $0x4000  }
0x2e: {  	[sflag:s14] =	ssyncset.done $0x0  }
0x2f: {  	s29 =	sadd.s32 $0x0, s9;
	[sflag:s14] =	ssyncadd.s32 $0xFFFFC000  }
0x30: {  	[hbm4b:s29+s2] =	stream.linear.scatter [tilespmem:s17], [sflag:$0x5], $0x4000, $0x38;
	[tilespmem:$0x10100] =	vst v63  }
0x31: {  	_ =	swait.ge [sflag:s14], $0x4000  }
0x32: {  	[sflag:s14] =	ssyncset.done $0x0  }
0x33: {  	s30 =	sadd.s32 $0x0, s8;
	[sflag:s14] =	ssyncadd.s32 $0xFFFFC000  }
0x34: {  	[hbm4b:s30+s2] =	stream.linear.scatter [tilespmem:s18], [sflag:$0x5], $0x4000, $0x38;
	[tilespmem:$0x10100] =	vst v63  }
0x35: {  	_ =	swait.ge [sflag:s14], $0x4000  }
0x36: {  	[sflag:s14] =	ssyncset.done $0x0  }
0x37: {  	s31 =	sadd.s32 $0x0, s7;
	[sflag:s14] =	ssyncadd.s32 $0xFFFFC000  }
0x38: {  	[hbm4b:s31+s2] =	stream.linear.scatter [tilespmem:s19], [sflag:$0x5], $0x4000, $0x38;
	[tilespmem:$0x10100] =	vst v63  }
0x39: {  	s26 =	smov.u32 s12;
	_ =	swait.ge [sflag:s14], $0x4000  }
0x3a: {  	s28 =	smov.u32 s13;
	s25 =	simm.s32 $0x800;
	[sflag:s14] =	ssyncset.done $0x0  }
.LBB2_2:
0x3b: {  	[sflag:s14] =	ssyncadd.s32 $0xFFFFC000  }
0x3c: {  	s26 =	sadd.s32 $0x10, s26;
	s28 =	sadd.s32 $0x10, s28;
	s29 =	smov.u32 s25  }
0x3d: {  	[tilespmem:s2], [sflag:$0x5] =	stream.linear.gather [hbm4b:s28+s2], $0x80, $0x38;
	[tilespmem:$0x10100] =	vst v63  }
0x3e: {  	p0 =	sne.s32 s25, $0x27000;
	s25 =	sadd.s32 $0x800, s25;
	_ =	swait.ge [sflag:s14], $0x80  }
0x3f: {  	[sflag:s14] =	ssyncset.done $0x0  }
0x40: {  	[sflag:s14] =	ssyncadd.s32 $0xFFFFFF80  }
0x41: {  	[tilespmem:s15], [sflag:$0x5] =	stream.linear.gather [hbm4b:s26+s2], $0x80, $0x38;
	[tilespmem:$0x10100] =	vst v63  }
0x42: {  	_ =	swait.ge [sflag:s14], $0x80  }
0x43: {  	[sflag:s14] =	ssyncset.done $0x0  }
0x44: {  	[sflag:s14] =	ssyncadd.s32 $0xFFFFFF80  }
0x45: {  	[tilespmem:s16], [sflag:$0x1] =	stream.indirect.gather [hbm4b:s3+s15], $0x80, s2, s15, $0xb8;
	[tilespmem:$0x10100] =	vst v63  }
0x46: {  	_ = 	snop  }
0x47: {  	[tilespmem:s17], [sflag:$0x2] =	stream.indirect.gather [hbm4b:s4+s15], $0x80, s15, s15, $0xb8;
	[tilespmem:$0x10100] =	vst v63  }
0x48: {  	_ = 	snop  }
0x49: {  	[tilespmem:s18], [sflag:$0x3] =	stream.indirect.gather [hbm4b:s5+s15], $0x80, s15, s15, $0xb8;
	[tilespmem:$0x10100] =	vst v63  }
0x4a: {  	_ = 	snop  }
0x4b: {  	[tilespmem:s19], [sflag:$0x4] =	stream.indirect.gather [hbm4b:s6+s15], $0x80, s2, s15, $0xb8;
	[tilespmem:$0x10100] =	vst v63  }
0x4c: {  	_ =	swait.ge [sflag:s20], $0x4000  }
0x4d: {  	[sflag:s20] =	ssyncset.done $0x0  }
0x4e: {  	[sflag:s20] =	ssyncadd.s32 $0xFFFFC000  }
0x4f: {  	_ =	swait.ge [sflag:s21], $0x4000  }
0x50: {  	[sflag:s21] =	ssyncset.done $0x0  }
0x51: {  	[sflag:s21] =	ssyncadd.s32 $0xFFFFC000  }
0x52: {  	_ =	swait.ge [sflag:s22], $0x4000  }
0x53: {  	[sflag:s22] =	ssyncset.done $0x0  }
0x54: {  	[sflag:s22] =	ssyncadd.s32 $0xFFFFC000  }
0x55: {  	_ =	swait.ge [sflag:s23], $0x4000  }
0x56: {  	[sflag:s23] =	ssyncset.done $0x0  }
0x57: {  	s30 =	sadd.s32 s29, s11;
	[sflag:s23] =	ssyncadd.s32 $0xFFFFC000  }
0x58: {  	[hbm4b:s30+s2] =	stream.linear.scatter [tilespmem:s16], [sflag:$0x5], $0x4000, $0x38;
	[tilespmem:$0x10100] =	vst v63  }
0x59: {  	_ =	swait.ge [sflag:s14], $0x4000  }
0x5a: {  	[sflag:s14] =	ssyncset.done $0x0  }
0x5b: {  	s30 =	sadd.s32 s29, s9;
	[sflag:s14] =	ssyncadd.s32 $0xFFFFC000  }
0x5c: {  	[hbm4b:s30+s2] =	stream.linear.scatter [tilespmem:s17], [sflag:$0x5], $0x4000, $0x38;
	[tilespmem:$0x10100] =	vst v63  }
0x5d: {  	_ =	swait.ge [sflag:s14], $0x4000  }
0x5e: {  	[sflag:s14] =	ssyncset.done $0x0  }
0x5f: {  	s30 =	sadd.s32 s29, s8;
	[sflag:s14] =	ssyncadd.s32 $0xFFFFC000  }
0x60: {  	[hbm4b:s30+s2] =	stream.linear.scatter [tilespmem:s18], [sflag:$0x5], $0x4000, $0x38;
	[tilespmem:$0x10100] =	vst v63  }
0x61: {  	_ =	swait.ge [sflag:s14], $0x4000  }
.Ltmp0:
0x62: {  	[sflag:s14] =	ssyncset.done $0x0;
	(pc) =	sbr.rel @p0 .LBB2_2-.Ltmp0, $4  }
0x63: {  	s29 =	sadd.s32 s29, s7;
	[sflag:s14] =	ssyncadd.s32 $0xFFFFC000  }
0x64: {  	[hbm4b:s29+s2] =	stream.linear.scatter [tilespmem:s19], [sflag:$0x5], $0x4000, $0x38;
	[tilespmem:$0x10100] =	vst v63  }
0x65: {  	_ =	swait.ge [sflag:s14], $0x4000  }
0x66: {  	[sflag:s14] =	ssyncset.done $0x0  }
0x67: {  	s24 =	sadd.s32 $0x1, s24  }
0x68: {  	p0 =	sne.s32 s24, s10  }
.Ltmp1:
0x69: {  	_ = 	snop;
	(pc) =	sbr.rel @p0 .LBB2_1-.Ltmp1, $2  }
0x6a: {  	_ =	sdelay $0x2  }
0x6b: {  	[sflag:s14] =	ssyncadd.s32 $0xFFFFC000  }
0x6c: {  	_ =	sfence.sel $0x180000  }
0x6d: {  	[bflag:$0x0] =	sbarrier.arrive $0xFFFF  }
0x6e: {  	p0 =	sne.s32 s1, $0x0;
	_ =	strace $0x90000047  }
0x6f: {  	s0 =	sadd.s32 @!p0 $0x100000, s0;
	[bflag:$0x2] =	sbarrier.arrive $0xFFFF  }
0x70: {  	[sflag:s0] =	ssyncadd.tile.s32 @!p0 $0x1;
	_ =	shalt  }
.Lfunc_end2:
_tile_overlayer_lowered:
.L_overlay_start_2:
0x71: {  	(tag) =	ssettag $0x2  }
0x72: {  	s0 =	rddreg [dreg:$0x0];
	s2 =	stileid.u32  }
0x73: {  	s1 =	rddreg [dreg:$0x1];
	p0 =	sne.s32 s2, $0x0  }
0x74: {  	s3 =	rddreg [dreg:$0x2];
	[bflag:$0x3] =	sbarrier.arrive $0xFFFF;
	s2 =	simm.s32 @!p0 $0x1C05  }
0x75: {  	[timem:s3], [sflag:s2] =	dma.local @!p0 [hbm:s0], s1  }
0x76: {  	s0 =	simm.s32 @!p0 $0x5  }
0x77: {  	_ =	swait.ge @!p0 [sflag:s0], s1  }
0x78: {  	s1 =	ssub.s32 @!p0 $0x0, s1;
	[sflag:s0] =	ssyncset.done @!p0 $0x0  }
0x79: {  	[sflag:s0] =	ssyncadd.s32 @!p0 s1  }
0x7a: {  	[bflag:$0x3] =	sbarrier.arrive $0xFFFF  }
0x7b: {  	_ =	shalt  }

// kernel: kernel.13.cloned.1.call-start
scs
__scs_entry_jumppad:
0x0: {  	(pc) =	sbr.rel $0x88, $3  }
0x1: {  	(tag) =	ssettag $0x0;
	lr =	simm.s32 $0x1  }
0x2: {  	[smem:$0x3F95] =	sst lr;
	_ =	strace $0xD0000000  }
0x3: {  	_ = 	snop  }
0x4: {  	_ = 	snop  }
0x5: {  	_ = 	snop  }
0x6: {  	_ = 	snop  }
0x7: {  	_ = 	snop  }
__scs_overlays_trampoline_lowered:
0x8: {  	[smem:$0x3FA4] =	sst s0  }
0x9: {  	[smem:$0x3FA5] =	sst s1  }
0xa: {  	[smem:$0x3FA6] =	sst s2  }
0xb: {  	[smem:$0x3FA7] =	sst s3  }
0xc: {  	[smem:$0x3FA8] =	sst s4  }
0xd: {  	[smem:$0x3FA9] =	sst s5  }
0xe: {  	[smem:$0x3FAA] =	sst s6  }
0xf: {  	[smem:$0x3FAB] =	sst s7  }
0x10: {  	[smem:$0x3FAC] =	sst s8  }
0x11: {  	[smem:$0x3FAD] =	sst s9;
	s0 =	simm.s32 @!p0 $0x0  }
0x12: {  	s1 =	sld [smem:$0x3F93];
	s0 =	simm.s32 @p0 $0x1  }
0x13: {  	[smem:$0x3FAE] =	sst s0;
	s0 =	simm.s32 @!p1 $0x0  }
0x14: {  	s2 =	sld [smem:$0x3F92];
	s0 =	simm.s32 @p1 $0x1  }
0x15: {  	[smem:$0x3FAF] =	sst s0;
	s0 =	simm.s32 @!p2 $0x0  }
0x16: {  	s3 =	sld [smem:$0x3FDB];
	s0 =	simm.s32 @p2 $0x1  }
0x17: {  	s4 =	simm.s32 $0x1BF5;
	[smem:$0x3FB1] =	sst s0  }
0x18: {  	s0 =	sld [smem:$0x3F94];
	_ =	swait.ge [sflag:s4], $0x0  }
0x19: {  	s7 =	sld [smem:$0x3F95]  }
0x1a: {  	s8 =	sadd.s32 $0xFFFFE003, lr  }
0x1b: {  	s9 =	sadd.s32 $0xFFFFFEF7, lr;
	s5 =	simm.s32 $0xFFFFFFFF;
	p2 =	slt.u32 s8, $0xFFFFF086  }
0x1c: {  	p1 =	slt.u32 s9, $0xF7A;
	s5 =	simm.s32 @!p2 $0x0  }
0x1d: {  	s5 =	simm.s32 @p1 $0x1;
	p0 =	seq.s32 s7, s2  }
0x1e: {  	s7 =	smul.u32 @!p0 $0xF7A, s2;
	p2 =	seq.s32 @!p0 s5, $0x0  }
0x1f: {  	s9 =	smul.u32 $0xF7A, s1;
	s8 =	simm.s32 @!p0 $0x1BF5;
	p2 =	por !p2, p0  }
0x20: {  	[sflag:s8] =	ssyncset.s32 @!p0 $0xFFFFF086;
	s6 =	sadd.s32 @!p0 s3, s7;
	s7 =	simm.s32 @!p0 $0x108  }
0x21: {  	s3 =	sadd.s32 s3, s9;
	s6 =	sadd.s32 @!p0 $0x88, s6;
	s7 =	simm.s32 @p2 $0x1082  }
0x22: {  	[simem:s7], [sflag:s8] =	dma.local @!p0 [hbm:s6], $0xF7A  }
0x23: {  	s9 =	sor.u32 $0xD0000000, s2;
	s6 =	simm.s32 $0x108;
	_ =	swait.ge @!p0 [sflag:s8], $0x0  }
0x24: {  	s3 =	sadd.s32 $0x88, s3;
	s6 =	simm.s32 @!p1 $0x1082;
	[sflag:s4] =	ssyncset.s32 $0xFFFFF086  }
0x25: {  	[simem:s6], [sflag:s4] =	dma.local [hbm:s3], $0xF7A  }
0x26: {  	[smem:$0x3F95] =	sst s1;
	(tag) =	ssettag s2;
	_ =	strace s9  }
0x27: {  	s1 =	sld [smem:$0x3FA5]  }
0x28: {  	s2 =	sld [smem:$0x3FA6]  }
0x29: {  	s4 =	sld [smem:$0x3FA8]  }
0x2a: {  	p0 =	seq.s32 s5, $0x0;
	s5 =	sld [smem:$0x3FA9]  }
0x2b: {  	s6 =	sld [smem:$0x3FAA]  }
0x2c: {  	s7 =	sld [smem:$0x3FAB]  }
0x2d: {  	s3 =	simm.s32 $0x108;
	s8 =	sld [smem:$0x3FAC]  }
0x2e: {  	s3 =	simm.s32 @!p0 $0x1082;
	s9 =	sld [smem:$0x3FAD]  }
0x2f: {  	lr =	sadd.s32 s0, s3;
	s0 =	sld [smem:$0x3FA4]  }
0x30: {  	s3 =	sld [smem:$0x3FA7]  }
0x31: {  	[smem:$0x3FB0] =	sst s10  }
0x32: {  	s10 =	sld [smem:$0x3FAE];
	_ =	sdelay $0x3  }
0x33: {  	p0 =	seq.s32 s10, $0x1;
	s10 =	sld [smem:$0x3FB0];
	_ =	sdelay $0x3  }
0x34: {  	[smem:$0x3FB0] =	sst s10  }
0x35: {  	s10 =	sld [smem:$0x3FAF];
	_ =	sdelay $0x3  }
0x36: {  	p1 =	seq.s32 s10, $0x1;
	s10 =	sld [smem:$0x3FB0];
	_ =	sdelay $0x3  }
0x37: {  	[smem:$0x3FB0] =	sst s10  }
0x38: {  	s10 =	sld [smem:$0x3FB1]  }
0x39: {  	_ = 	snop;
	(pc) =	sbr.ind lr, $3  }
0x3a: {  	_ = 	snop  }
0x3b: {  	_ = 	snop  }
0x3c: {  	p2 =	seq.s32 s10, $0x1;
	s10 =	sld [smem:$0x3FB0]  }
0x3d: {  	_ =	shalt  }
0x3e: {  	_ =	shalt  }
0x3f: {  	_ =	shalt  }
0x40: {  	_ =	shalt  }
0x41: {  	_ =	shalt  }
0x42: {  	_ =	shalt  }
0x43: {  	_ =	shalt  }
0x44: {  	_ =	shalt  }
0x45: {  	_ =	shalt  }
0x46: {  	_ =	shalt  }
0x47: {  	_ =	shalt  }
0x48: {  	_ =	shalt  }
0x49: {  	_ =	shalt  }
0x4a: {  	_ =	shalt  }
0x4b: {  	_ =	shalt  }
0x4c: {  	_ =	shalt  }
0x4d: {  	_ =	shalt  }
0x4e: {  	_ =	shalt  }
0x4f: {  	_ =	shalt  }
0x50: {  	_ =	shalt  }
0x51: {  	_ =	shalt  }
0x52: {  	_ =	shalt  }
0x53: {  	_ =	shalt  }
0x54: {  	_ =	shalt  }
0x55: {  	_ =	shalt  }
0x56: {  	_ =	shalt  }
0x57: {  	_ =	shalt  }
0x58: {  	_ =	shalt  }
0x59: {  	_ =	shalt  }
0x5a: {  	_ =	shalt  }
0x5b: {  	_ =	shalt  }
0x5c: {  	_ =	shalt  }
0x5d: {  	_ =	shalt  }
0x5e: {  	_ =	shalt  }
0x5f: {  	_ =	shalt  }
0x60: {  	_ =	shalt  }
0x61: {  	_ =	shalt  }
0x62: {  	_ =	shalt  }
0x63: {  	_ =	shalt  }
0x64: {  	_ =	shalt  }
0x65: {  	_ =	shalt  }
0x66: {  	_ =	shalt  }
0x67: {  	_ =	shalt  }
0x68: {  	_ =	shalt  }
0x69: {  	_ =	shalt  }
0x6a: {  	_ =	shalt  }
0x6b: {  	_ =	shalt  }
0x6c: {  	_ =	shalt  }
0x6d: {  	_ =	shalt  }
0x6e: {  	_ =	shalt  }
0x6f: {  	_ =	shalt  }
0x70: {  	_ =	shalt  }
0x71: {  	_ =	shalt  }
0x72: {  	_ =	shalt  }
0x73: {  	_ =	shalt  }
0x74: {  	_ =	shalt  }
0x75: {  	_ =	shalt  }
0x76: {  	_ =	shalt  }
0x77: {  	_ =	shalt  }
0x78: {  	_ =	shalt  }
0x79: {  	_ =	shalt  }
0x7a: {  	_ =	shalt  }
0x7b: {  	_ =	shalt  }
0x7c: {  	_ =	shalt  }
0x7d: {  	_ =	shalt  }
0x7e: {  	_ =	shalt  }
0x7f: {  	_ =	shalt  }
0x80: {  	_ =	shalt  }
0x81: {  	_ =	shalt  }
0x82: {  	_ =	shalt  }
0x83: {  	_ =	shalt  }
0x84: {  	_ =	shalt  }
0x85: {  	_ =	shalt  }
0x86: {  	_ =	shalt  }
0x87: {  	_ =	shalt  }
.Lfunc_end0:
.L_simem_size_0:
called_computation.1_lowered:
.L_overlay_start_0:
0x88: {  	s2 =	sld [smem:$0x3FD9]  }
0x89: {  	s3 =	sld [smem:$0x3FFE];
	_ =	sdelay $0x1  }
0x8a: {  	s1 =	srdreg.scid  }
0x8b: {  	s0 =	sand.u32 $0x1, s1  }
0x8c: {  	s17 =	sshll.u32 s0, $0xA;
	s2 =	sadd.s32 s3, s2  }
0x8d: {  	s2 =	sadd.s32 s2, s17  }
0x8e: {  	[smem:$0x3FBC] =	sst s2  }
0x8f: {  	_ = 	snop  }
0x90: {  	(tm) =	ssettm $0x1  }
0x91: {  	s18 =	sld [smem:$0x3FFB];
	_ =	sdelay $0x3  }
0x92: {  	_ =	strace s18  }
0x93: {  	s2 =	sld [smem:$0x3FFC];
	_ =	sdelay $0x3  }
0x94: {  	_ =	strace s2  }
0x95: {  	s2 =	sld [smem:$0x3FFD];
	_ =	sdelay $0x3  }
0x96: {  	_ =	strace s2  }
0x97: {  	_ =	strace $0x8FFFFFFF  }
0x98: {  	s19 =	sld [smem:$0x3FDB];
	_ =	sdelay $0x1  }
0x99: {  	s20 =	simm.s32 $_scs_section_size  }
0x9a: {  	s4 =	simm.s32 $_size__tile_overlayer_lowered;
	s5 =	simm.s32 $_tile_overlayer_lowered  }
0x9b: {  	s6 =	simm.s32 $0x1BFF;
	s21 =	sshll.u32 s5, $0x1;
	s3 =	sadd.s32 s20, s19  }
0x9c: {  	s22 =	simm.s32 $0x0;
	s4 =	sshll.u32 s4, $0x1;
	s5 =	sadd.s32 s21, s3  }
0x9d: {  	[timem:s22], [sflag:s6] =	dma.local [hbm:s5], s4  }
0x9e: {  	_ =	swait.ge [sflag:s6], s4  }
0x9f: {  	s4 =	ssub.s32 $0x0, s4;
	[sflag:s6] =	ssyncset.done $0x0  }
0xa0: {  	[sflag:s6] =	ssyncadd.s32 s4;
	_ =	sdelay $0x1  }
0xa1: {  	s23 =	simm.s32 $0x1B8B  }
0xa2: {  	_ =	swait.ge [sflag:s23], $0x1  }
0xa3: {  	[sflag:s23] =	ssyncset.done $0x0  }
0xa4: {  	[sflag:s23] =	ssyncadd.s32 $0xFFFFFFFF  }
0xa5: {  	s4 =	sld [smem:$0x0]  }
0xa6: {  	s5 =	sand.u32 $0xFFFFFFFE, s1  }
0xa7: {  	p0 =	sne.s32 s1, s5  }
0xa8: {  	s5 =	sshll.u32 @p0 s5, $0xE  }
0xa9: {  	s5 =	sadd.s32 @p0 $0x11B8D, s5;
	s6 =	sshll.u32 @p0 s4, $0x11  }
0xaa: {  	s5 =	sor.u32 @p0 s6, s5  }
0xab: {  	[sflag:s5] =	ssyncadd.remote.s32 @p0 $0x1;
	_ =	sdelay $0x1  }
0xac: {  	s5 =	simm.s32 @p0 $0x1B8D  }
0xad: {  	_ =	swait.eq @p0 [sflag:s5], $0x1  }
0xae: {  	[sflag:s5] =	ssyncadd.s32 @p0 $0xFFFFFFFF  }
0xaf: {  	s6 =	sshll.u32 @!p0 s1, $0xE  }
0xb0: {  	s6 =	sor.u32 @!p0 $0x4000, s6;
	s5 =	simm.s32 @!p0 $0x1B8D  }
0xb1: {  	s4 =	sshll.u32 @!p0 s4, $0x11;
	s6 =	sadd.s32 @!p0 $0x11B8D, s6;
	_ =	swait.eq @!p0 [sflag:s5], $0x1  }
0xb2: {  	s4 =	sor.u32 @!p0 s4, s6;
	[sflag:s5] =	ssyncadd.s32 @!p0 $0xFFFFFFFF  }
0xb3: {  	s25 =	simm.s32 $0x1B8E;
	s24 =	sld [smem:$0x3FFE];
	[sflag:s4] =	ssyncadd.remote.s32 @!p0 $0x1  }
0xb4: {  	s26 =	simm.s32 $execute0_lowered;
	[smem:$0x3FD2] =	sst s25  }
0xb5: {  	s5 =	sshll.u32 s26, $0x1;
	_ =	strace $0x8000004C;
	[dreg:$0x1] =	wrdreg $0xFFFFFFFF  }
0xb6: {  	s28 =	simm.s32 $_size_execute0_lowered;
	s3 =	sadd.s32 s3, s5;
	[dreg:$0x0] =	wrdreg $0x0  }
0xb7: {  	s5 =	sshll.u32 s28, $0x1;
	[dreg:$0x2] =	wrdreg s3  }
0xb8: {  	[dreg:$0x3] =	wrdreg s5  }
0xb9: {  	[dreg:$0x4] =	wrdreg $0xC0  }
0xba: {  	_ =	task [dreg:s22], $0x5FFFF  }
0xbb: {  	[dreg:$0x1] =	wrdreg $0xFFFFFFFF  }
0xbc: {  	[dreg:$0x0] =	wrdreg $0x60  }
0xbd: {  	[dreg:$0x2] =	wrdreg s24  }
0xbe: {  	[dreg:$0x3] =	wrdreg $0x0  }
0xbf: {  	[dreg:$0x4] =	wrdreg $0x9  }
0xc0: {  	_ =	task.clear_ibuf [dreg:s22], $0x5FFFF;
	_ =	strace $0x9000004C  }
0xc1: {  	s29 =	simm.s32 $0x9;
	_ =	strace $0x8000004E  }
0xc2: {  	_ =	swait.ge [sflag:s29], $0x1  }
0xc3: {  	[sflag:s29] =	ssyncadd.s32 $0xFFFFFFFF  }
0xc4: {  	_ =	strace $0x9000004E  }
0xc5: {  	_ =	sfence  }
0xc6: {  	s30 =	sld [smem:$0x0];
	_ =	sdelay $0x2  }
0xc7: {  	s31 =	sshll.u32 s1, $0xD;
	s1 =	sshrl.u32 s1, $0x2  }
0xc8: {  	s4 =	sand.u32 $0x4000, s31;
	s1 =	sadd.s32 s1, s30  }
0xc9: {  	s0 =	sor.u32 s4, s0;
	s1 =	sshll.u32 s1, $0x11  }
0xca: {  	s0 =	sor.u32 s1, s0  }
0xcb: {  	s0 =	sadd.s32 $0x8F2B, s0  }
0xcc: {  	[sflag:s0] =	ssyncadd.remote.s32 $0x1  }
0xcd: {  	_ =	sfence.sel $0xFFFF  }
0xce: {  	[dreg:$0x0] =	wrdreg $0xFFFFFFFF;
	(pc) =	sbr.abs _section_cstart, $3  }
0xcf: {  	[dreg:$0x1] =	wrdreg $0xFFFFFFFF  }
0xd0: {  	_ =	task.clear_ibuf [dreg:s22], $0x2FFFF;
	_ =	strace $0x9FFFFFFF  }
0xd1: {  	(tm) =	ssettm $0x7FFFFFFF  }
tec
execute0_lowered:
.L_overlay_start_1:
0x0: {  	(tag) =	ssettag $0x1  }
0x1: {  	s0 =	srdreg.scid  }
0x2: {  	s6 =	rddreg [dreg:$0x0];
	s4 =	sand.u32 $0x1, s0  }
0x3: {  	s0 =	stileid.u32;
	s5 =	smul.u32 $0x13C0000, s4  }
0x4: {  	s2 =	rddreg [dreg:$0x1];
	s7 =	smul.u32 $0x13C000, s0  }
0x5: {  	s1 =	rddreg [dreg:$0x2];
	s3 =	simm.s32 $0x0;
	s8 =	smul.u32 $0x4F0, s0  }
0x6: {  	s13 =	simm.s32 $0x14080;
	s14 =	simm.s32 $0x80;
	s9 =	smul.u32 $0x140000, s4  }
0x7: {  	s15 =	simm.s32 $0x0;
	[smem:$0x7FF] =	sst s3;
	s24 =	smul.u32 $0x14000, s0  }
0x8: {  	_ =	strace $0x8000004D;
	s26 =	ssub.s32 $0x2, s4;
	s28 =	smul.u32 $0x50000, s0  }
0x9: {  	s4 =	sadd.s32 $0x8000, s6;
	s31 =	sshll.u32 s0, $0x6;
	s29 =	sshrl.u32 s26, $0x1  }
0xa: {  	s5 =	sadd.s32 s7, s5;
	s11 =	sadd.s32 s8, s6;
	s25 =	sadd.s32 s24, s9  }
0xb: {  	s7 =	ssub.s32 s26, s29;
	s30 =	sshrl.u32 s28, $0x2;
	s5 =	sshrl.u32 s5, $0x3  }
0xc: {  	s12 =	sadd.s32 s30, s2;
	s7 =	smax.u32 s7, $0x1;
	s9 =	sadd.s32 $0x3000, s11  }
0xd: {  	s11 =	simm.s32 $0x1;
	s10 =	sadd.s32 s5, s6;
	s5 =	sshrl.u32 s25, $0x3  }
0xe: {  	s6 =	sadd.s32 s5, s6;
	s5 =	sor.u32 $0x1C01, s31;
	s8 =	sadd.s32 $0x644400, s10  }
0xf: {  	s10 =	sshrl.u32 s12, $0x3;
	s12 =	simm.s32 $0x14000;
	s6 =	sadd.s32 $0x5A800, s6  }
.LBB2_1:
0x10: {  	[spmem:s10], [sflag:s5] =	dma.local [hbm:s4], $0x2800  }
0x11: {  	_ =	swait.ge [sflag:s11], $0x2800  }
0x12: {  	[sflag:s11] =	ssyncset.done $0x0  }
0x13: {  	[sflag:s11] =	ssyncadd.s32 $0xFFFFD800  }
0x14: {  	s16 =	sadd.s32 $0x0, s9;
	[bflag:$0x0] =	sbarrier.arrive $0xFFFF  }
0x15: {  	[tilespmem:s12], [sflag:$0x1] =	stream.linear.gather [hbm4b:s16+s3], $0x80, $0x38;
	[tilespmem:$0x18080] =	vst v63  }
0x16: {  	_ =	swait.ge [sflag:s11], $0x80  }
0x17: {  	[sflag:s11] =	ssyncset.done $0x0  }
0x18: {  	[sflag:s11] =	ssyncadd.s32 $0xFFFFFF80  }
0x19: {  	[tilespmem:s13], [sflag:$0x1] =	stream.linear.gather [hbm4b:s8+s3], $0x4000, $0x38;
	[tilespmem:$0x18080] =	vst v63  }
0x1a: {  	_ =	swait.ge [sflag:s11], $0x4000  }
0x1b: {  	[sflag:s11] =	ssyncset.done $0x0  }
0x1c: {  	[sflag:s11] =	ssyncadd.s32 $0xFFFFC000  }
0x1d: {  	[spmem:s2] =	stream.indirect.scatter.add.f32 [tilespmem:s13], [sflag:$0x1], $0x80, s12, s14, $0xb8;
	[tilespmem:$0x18080] =	vst v63  }
0x1e: {  	s17 =	simm.s32 $0x10;
	_ =	swait.ge [sflag:s11], $0x4000  }
0x1f: {  	s18 =	simm.s32 $0x20;
	s16 =	sadd.s32 $0x800, s8;
	[sflag:s11] =	ssyncset.done $0x0  }
.LBB2_2:
0x20: {  	s19 =	sadd.s32 s17, s9  }
0x21: {  	[sflag:s11] =	ssyncadd.s32 $0xFFFFC000;
	s17 =	smov.u32 s18;
	s20 =	sadd.s32 $0x10, s18  }
0x22: {  	[tilespmem:s12], [sflag:$0x1] =	stream.linear.gather [hbm4b:s19+s3], $0x80, $0x38;
	[tilespmem:$0x18080] =	vst v63  }
0x23: {  	p0 =	sne.s32 s18, $0x4E0;
	_ =	swait.ge [sflag:s11], $0x80  }
0x24: {  	[sflag:s11] =	ssyncset.done $0x0  }
0x25: {  	[sflag:s11] =	ssyncadd.s32 $0xFFFFFF80  }
0x26: {  	[tilespmem:s13], [sflag:$0x1] =	stream.linear.gather [hbm4b:s16+s3], $0x4000, $0x38;
	[tilespmem:$0x18080] =	vst v63  }
0x27: {  	_ =	swait.ge [sflag:s11], $0x4000  }
.Ltmp0:
0x28: {  	[sflag:s11] =	ssyncset.done $0x0;
	(pc) =	sbr.rel @p0 .LBB2_2-.Ltmp0, $4  }
0x29: {  	[sflag:s11] =	ssyncadd.s32 $0xFFFFC000  }
0x2a: {  	[spmem:s2] =	stream.indirect.scatter.add.f32 [tilespmem:s13], [sflag:$0x1], $0x80, s12, s14, $0xb8;
	[tilespmem:$0x18080] =	vst v63  }
0x2b: {  	_ =	swait.ge [sflag:s11], $0x4000  }
0x2c: {  	s18 =	smov.u32 s20;
	s16 =	sadd.s32 $0x800, s16;
	[sflag:s11] =	ssyncset.done $0x0  }
0x2d: {  	s17 =	sadd.s32 s17, s9;
	[sflag:s11] =	ssyncadd.s32 $0xFFFFC000  }
0x2e: {  	[tilespmem:s12], [sflag:$0x1] =	stream.linear.gather [hbm4b:s17+s3], $0x80, $0x38;
	[tilespmem:$0x18080] =	vst v63  }
0x2f: {  	_ =	swait.ge [sflag:s11], $0x80  }
0x30: {  	[sflag:s11] =	ssyncset.done $0x0  }
0x31: {  	[sflag:s11] =	ssyncadd.s32 $0xFFFFFF80  }
0x32: {  	[tilespmem:s13], [sflag:$0x1] =	stream.linear.gather [hbm4b:s16+s3], $0x4000, $0x38;
	[tilespmem:$0x18080] =	vst v63  }
0x33: {  	_ =	swait.ge [sflag:s11], $0x4000  }
0x34: {  	[sflag:s11] =	ssyncset.done $0x0  }
0x35: {  	[sflag:s11] =	ssyncadd.s32 $0xFFFFC000  }
0x36: {  	[spmem:s2] =	stream.indirect.scatter.add.f32 [tilespmem:s13], [sflag:$0x1], $0x80, s12, s14, $0xb8;
	[tilespmem:$0x18080] =	vst v63  }
0x37: {  	_ =	swait.ge [sflag:s11], $0x4000  }
0x38: {  	s15 =	sadd.s32 $0x1, s15;
	[sflag:s11] =	ssyncset.done $0x0  }
0x39: {  	p0 =	sne.s32 s15, s7;
	[sflag:s11] =	ssyncadd.s32 $0xFFFFC000  }
.Ltmp1:
0x3a: {  	[bflag:$0x0] =	sbarrier.arrive $0xFFFF;
	(pc) =	sbr.rel @p0 .LBB2_1-.Ltmp1, $4  }
0x3b: {  	[hbm:s6], [sflag:s5] =	dma.local [spmem:s10], $0x2800  }
0x3c: {  	_ =	swait.ge [sflag:s11], $0x2800  }
0x3d: {  	[sflag:s11] =	ssyncset.done $0x0  }
0x3e: {  	[sflag:s11] =	ssyncadd.s32 $0xFFFFD800  }
0x3f: {  	_ =	sfence.sel $0x180000  }
0x40: {  	[bflag:$0x0] =	sbarrier.arrive $0xFFFF  }
0x41: {  	p0 =	sne.s32 s0, $0x0;
	_ =	strace $0x9000004D  }
0x42: {  	s0 =	sadd.s32 @!p0 $0x100000, s1;
	[bflag:$0x2] =	sbarrier.arrive $0xFFFF  }
0x43: {  	[sflag:s0] =	ssyncadd.tile.s32 @!p0 $0x1;
	_ =	shalt  }
.Lfunc_end2:
_tile_overlayer_lowered:
.L_overlay_start_2:
0x44: {  	(tag) =	ssettag $0x2  }
0x45: {  	s0 =	rddreg [dreg:$0x0];
	s2 =	stileid.u32  }
0x46: {  	s1 =	rddreg [dreg:$0x1];
	p0 =	sne.s32 s2, $0x0  }
0x47: {  	s3 =	rddreg [dreg:$0x2];
	[bflag:$0x3] =	sbarrier.arrive $0xFFFF;
	s2 =	simm.s32 @!p0 $0x1C01  }
0x48: {  	[timem:s3], [sflag:s2] =	dma.local @!p0 [hbm:s0], s1  }
0x49: {  	s0 =	simm.s32 @!p0 $0x1  }
0x4a: {  	_ =	swait.ge @!p0 [sflag:s0], s1  }
0x4b: {  	s1 =	ssub.s32 @!p0 $0x0, s1;
	[sflag:s0] =	ssyncset.done @!p0 $0x0  }
0x4c: {  	[sflag:s0] =	ssyncadd.s32 @!p0 s1  }
0x4d: {  	[bflag:$0x3] =	sbarrier.arrive $0xFFFF  }
0x4e: {  	_ =	shalt  }

// kernel: kernel.16.cloned.1.call-start
scs
__scs_entry_jumppad:
0x0: {  	(pc) =	sbr.rel $0x88, $3  }
0x1: {  	(tag) =	ssettag $0x0;
	lr =	simm.s32 $0x1  }
0x2: {  	[smem:$0x3F95] =	sst lr;
	_ =	strace $0xD0000000  }
0x3: {  	_ = 	snop  }
0x4: {  	_ = 	snop  }
0x5: {  	_ = 	snop  }
0x6: {  	_ = 	snop  }
0x7: {  	_ = 	snop  }
__scs_overlays_trampoline_lowered:
0x8: {  	[smem:$0x3FA4] =	sst s0  }
0x9: {  	[smem:$0x3FA5] =	sst s1  }
0xa: {  	[smem:$0x3FA6] =	sst s2  }
0xb: {  	[smem:$0x3FA7] =	sst s3  }
0xc: {  	[smem:$0x3FA8] =	sst s4  }
0xd: {  	[smem:$0x3FA9] =	sst s5  }
0xe: {  	[smem:$0x3FAA] =	sst s6  }
0xf: {  	[smem:$0x3FAB] =	sst s7  }
0x10: {  	[smem:$0x3FAC] =	sst s8  }
0x11: {  	[smem:$0x3FAD] =	sst s9;
	s0 =	simm.s32 @!p0 $0x0  }
0x12: {  	s1 =	sld [smem:$0x3F93];
	s0 =	simm.s32 @p0 $0x1  }
0x13: {  	[smem:$0x3FAE] =	sst s0;
	s0 =	simm.s32 @!p1 $0x0  }
0x14: {  	s2 =	sld [smem:$0x3F92];
	s0 =	simm.s32 @p1 $0x1  }
0x15: {  	[smem:$0x3FAF] =	sst s0;
	s0 =	simm.s32 @!p2 $0x0  }
0x16: {  	s3 =	sld [smem:$0x3FDB];
	s0 =	simm.s32 @p2 $0x1  }
0x17: {  	s4 =	simm.s32 $0x1BF5;
	[smem:$0x3FB1] =	sst s0  }
0x18: {  	s0 =	sld [smem:$0x3F94];
	_ =	swait.ge [sflag:s4], $0x0  }
0x19: {  	s7 =	sld [smem:$0x3F95]  }
0x1a: {  	s8 =	sadd.s32 $0xFFFFE003, lr  }
0x1b: {  	s9 =	sadd.s32 $0xFFFFFEF7, lr;
	s5 =	simm.s32 $0xFFFFFFFF;
	p2 =	slt.u32 s8, $0xFFFFF086  }
0x1c: {  	p1 =	slt.u32 s9, $0xF7A;
	s5 =	simm.s32 @!p2 $0x0  }
0x1d: {  	s5 =	simm.s32 @p1 $0x1;
	p0 =	seq.s32 s7, s2  }
0x1e: {  	s7 =	smul.u32 @!p0 $0xF7A, s2;
	p2 =	seq.s32 @!p0 s5, $0x0  }
0x1f: {  	s9 =	smul.u32 $0xF7A, s1;
	s8 =	simm.s32 @!p0 $0x1BF5;
	p2 =	por !p2, p0  }
0x20: {  	[sflag:s8] =	ssyncset.s32 @!p0 $0xFFFFF086;
	s6 =	sadd.s32 @!p0 s3, s7;
	s7 =	simm.s32 @!p0 $0x108  }
0x21: {  	s3 =	sadd.s32 s3, s9;
	s6 =	sadd.s32 @!p0 $0x88, s6;
	s7 =	simm.s32 @p2 $0x1082  }
0x22: {  	[simem:s7], [sflag:s8] =	dma.local @!p0 [hbm:s6], $0xF7A  }
0x23: {  	s9 =	sor.u32 $0xD0000000, s2;
	s6 =	simm.s32 $0x108;
	_ =	swait.ge @!p0 [sflag:s8], $0x0  }
0x24: {  	s3 =	sadd.s32 $0x88, s3;
	s6 =	simm.s32 @!p1 $0x1082;
	[sflag:s4] =	ssyncset.s32 $0xFFFFF086  }
0x25: {  	[simem:s6], [sflag:s4] =	dma.local [hbm:s3], $0xF7A  }
0x26: {  	[smem:$0x3F95] =	sst s1;
	(tag) =	ssettag s2;
	_ =	strace s9  }
0x27: {  	s1 =	sld [smem:$0x3FA5]  }
0x28: {  	s2 =	sld [smem:$0x3FA6]  }
0x29: {  	s4 =	sld [smem:$0x3FA8]  }
0x2a: {  	p0 =	seq.s32 s5, $0x0;
	s5 =	sld [smem:$0x3FA9]  }
0x2b: {  	s6 =	sld [smem:$0x3FAA]  }
0x2c: {  	s7 =	sld [smem:$0x3FAB]  }
0x2d: {  	s3 =	simm.s32 $0x108;
	s8 =	sld [smem:$0x3FAC]  }
0x2e: {  	s3 =	simm.s32 @!p0 $0x1082;
	s9 =	sld [smem:$0x3FAD]  }
0x2f: {  	lr =	sadd.s32 s0, s3;
	s0 =	sld [smem:$0x3FA4]  }
0x30: {  	s3 =	sld [smem:$0x3FA7]  }
0x31: {  	[smem:$0x3FB0] =	sst s10  }
0x32: {  	s10 =	sld [smem:$0x3FAE];
	_ =	sdelay $0x3  }
0x33: {  	p0 =	seq.s32 s10, $0x1;
	s10 =	sld [smem:$0x3FB0];
	_ =	sdelay $0x3  }
0x34: {  	[smem:$0x3FB0] =	sst s10  }
0x35: {  	s10 =	sld [smem:$0x3FAF];
	_ =	sdelay $0x3  }
0x36: {  	p1 =	seq.s32 s10, $0x1;
	s10 =	sld [smem:$0x3FB0];
	_ =	sdelay $0x3  }
0x37: {  	[smem:$0x3FB0] =	sst s10  }
0x38: {  	s10 =	sld [smem:$0x3FB1]  }
0x39: {  	_ = 	snop;
	(pc) =	sbr.ind lr, $3  }
0x3a: {  	_ = 	snop  }
0x3b: {  	_ = 	snop  }
0x3c: {  	p2 =	seq.s32 s10, $0x1;
	s10 =	sld [smem:$0x3FB0]  }
0x3d: {  	_ =	shalt  }
0x3e: {  	_ =	shalt  }
0x3f: {  	_ =	shalt  }
0x40: {  	_ =	shalt  }
0x41: {  	_ =	shalt  }
0x42: {  	_ =	shalt  }
0x43: {  	_ =	shalt  }
0x44: {  	_ =	shalt  }
0x45: {  	_ =	shalt  }
0x46: {  	_ =	shalt  }
0x47: {  	_ =	shalt  }
0x48: {  	_ =	shalt  }
0x49: {  	_ =	shalt  }
0x4a: {  	_ =	shalt  }
0x4b: {  	_ =	shalt  }
0x4c: {  	_ =	shalt  }
0x4d: {  	_ =	shalt  }
0x4e: {  	_ =	shalt  }
0x4f: {  	_ =	shalt  }
0x50: {  	_ =	shalt  }
0x51: {  	_ =	shalt  }
0x52: {  	_ =	shalt  }
0x53: {  	_ =	shalt  }
0x54: {  	_ =	shalt  }
0x55: {  	_ =	shalt  }
0x56: {  	_ =	shalt  }
0x57: {  	_ =	shalt  }
0x58: {  	_ =	shalt  }
0x59: {  	_ =	shalt  }
0x5a: {  	_ =	shalt  }
0x5b: {  	_ =	shalt  }
0x5c: {  	_ =	shalt  }
0x5d: {  	_ =	shalt  }
0x5e: {  	_ =	shalt  }
0x5f: {  	_ =	shalt  }
0x60: {  	_ =	shalt  }
0x61: {  	_ =	shalt  }
0x62: {  	_ =	shalt  }
0x63: {  	_ =	shalt  }
0x64: {  	_ =	shalt  }
0x65: {  	_ =	shalt  }
0x66: {  	_ =	shalt  }
0x67: {  	_ =	shalt  }
0x68: {  	_ =	shalt  }
0x69: {  	_ =	shalt  }
0x6a: {  	_ =	shalt  }
0x6b: {  	_ =	shalt  }
0x6c: {  	_ =	shalt  }
0x6d: {  	_ =	shalt  }
0x6e: {  	_ =	shalt  }
0x6f: {  	_ =	shalt  }
0x70: {  	_ =	shalt  }
0x71: {  	_ =	shalt  }
0x72: {  	_ =	shalt  }
0x73: {  	_ =	shalt  }
0x74: {  	_ =	shalt  }
0x75: {  	_ =	shalt  }
0x76: {  	_ =	shalt  }
0x77: {  	_ =	shalt  }
0x78: {  	_ =	shalt  }
0x79: {  	_ =	shalt  }
0x7a: {  	_ =	shalt  }
0x7b: {  	_ =	shalt  }
0x7c: {  	_ =	shalt  }
0x7d: {  	_ =	shalt  }
0x7e: {  	_ =	shalt  }
0x7f: {  	_ =	shalt  }
0x80: {  	_ =	shalt  }
0x81: {  	_ =	shalt  }
0x82: {  	_ =	shalt  }
0x83: {  	_ =	shalt  }
0x84: {  	_ =	shalt  }
0x85: {  	_ =	shalt  }
0x86: {  	_ =	shalt  }
0x87: {  	_ =	shalt  }
.Lfunc_end0:
.L_simem_size_0:
called_computation.2_lowered:
.L_overlay_start_0:
0x88: {  	s2 =	sld [smem:$0x3FD9]  }
0x89: {  	s3 =	sld [smem:$0x3FFE];
	_ =	sdelay $0x1  }
0x8a: {  	s1 =	srdreg.scid  }
0x8b: {  	s0 =	sand.u32 $0x1, s1  }
0x8c: {  	s16 =	sshll.u32 s0, $0xA;
	s2 =	sadd.s32 s3, s2  }
0x8d: {  	s2 =	sadd.s32 s2, s16  }
0x8e: {  	[smem:$0x3FBC] =	sst s2  }
0x8f: {  	_ = 	snop  }
0x90: {  	(tm) =	ssettm $0x1  }
0x91: {  	s17 =	sld [smem:$0x3FFB];
	_ =	sdelay $0x3  }
0x92: {  	_ =	strace s17  }
0x93: {  	s2 =	sld [smem:$0x3FFC];
	_ =	sdelay $0x3  }
0x94: {  	_ =	strace s2  }
0x95: {  	s2 =	sld [smem:$0x3FFD];
	_ =	sdelay $0x3  }
0x96: {  	_ =	strace s2  }
0x97: {  	_ =	strace $0x8FFFFFFF  }
0x98: {  	s18 =	sld [smem:$0x3FDB];
	_ =	sdelay $0x1  }
0x99: {  	s19 =	simm.s32 $_scs_section_size  }
0x9a: {  	s4 =	simm.s32 $_size__tile_overlayer_lowered;
	s5 =	simm.s32 $_tile_overlayer_lowered  }
0x9b: {  	s22 =	simm.s32 $0x1BFF;
	s21 =	sshll.u32 s5, $0x1;
	s2 =	sadd.s32 s19, s18  }
0x9c: {  	s6 =	simm.s32 $0x0;
	s20 =	sshll.u32 s4, $0x1;
	s4 =	sadd.s32 s21, s2  }
0x9d: {  	[timem:s6], [sflag:s22] =	dma.local [hbm:s4], s20  }
0x9e: {  	_ =	swait.ge [sflag:s22], s20  }
0x9f: {  	s3 =	ssub.s32 $0x0, s20;
	[sflag:s22] =	ssyncset.done $0x0  }
0xa0: {  	[sflag:s22] =	ssyncadd.s32 s3;
	_ =	sdelay $0x1  }
0xa1: {  	s23 =	simm.s32 $0x1B8B  }
0xa2: {  	_ =	swait.ge [sflag:s23], $0x1  }
0xa3: {  	[sflag:s23] =	ssyncset.done $0x0  }
0xa4: {  	s25 =	simm.s32 $0x1B8E;
	s24 =	sld [smem:$0x3FFE];
	[sflag:s23] =	ssyncadd.s32 $0xFFFFFFFF  }
0xa5: {  	s26 =	simm.s32 $execute0_lowered;
	[smem:$0x3FD2] =	sst s25  }
0xa6: {  	s4 =	sshll.u32 s26, $0x1;
	_ =	strace $0x80000049;
	[dreg:$0x1] =	wrdreg $0xFFFFFFFF  }
0xa7: {  	s28 =	simm.s32 $_size_execute0_lowered;
	s2 =	sadd.s32 s2, s4;
	[dreg:$0x0] =	wrdreg $0x0  }
0xa8: {  	s4 =	sshll.u32 s28, $0x1;
	[dreg:$0x2] =	wrdreg s2  }
0xa9: {  	[dreg:$0x3] =	wrdreg s4  }
0xaa: {  	[dreg:$0x4] =	wrdreg $0xC0  }
0xab: {  	_ =	task [dreg:s6], $0x5FFFF  }
0xac: {  	[dreg:$0x1] =	wrdreg $0xFFFFFFFF  }
0xad: {  	[dreg:$0x0] =	wrdreg $0x60  }
0xae: {  	[dreg:$0x2] =	wrdreg s24  }
0xaf: {  	[dreg:$0x3] =	wrdreg $0x0  }
0xb0: {  	[dreg:$0x4] =	wrdreg $0xA  }
0xb1: {  	_ =	task.clear_ibuf [dreg:s6], $0x5FFFF;
	_ =	strace $0x90000049  }
0xb2: {  	s29 =	simm.s32 $0xA;
	_ =	strace $0x8000004B  }
0xb3: {  	_ =	swait.ge [sflag:s29], $0x1  }
0xb4: {  	[sflag:s29] =	ssyncadd.s32 $0xFFFFFFFF  }
0xb5: {  	_ =	strace $0x9000004B  }
0xb6: {  	_ =	sfence  }
0xb7: {  	s30 =	sld [smem:$0x0];
	_ =	sdelay $0x2  }
0xb8: {  	s31 =	sshll.u32 s1, $0xD;
	s1 =	sshrl.u32 s1, $0x2  }
0xb9: {  	s3 =	sand.u32 $0x4000, s31;
	s1 =	sadd.s32 s1, s30  }
0xba: {  	s0 =	sor.u32 s3, s0;
	s1 =	sshll.u32 s1, $0x11  }
0xbb: {  	s0 =	sor.u32 s1, s0  }
0xbc: {  	s0 =	sadd.s32 $0x8F2B, s0  }
0xbd: {  	[sflag:s0] =	ssyncadd.remote.s32 $0x1  }
0xbe: {  	_ =	sfence.sel $0xFFFF  }
0xbf: {  	[dreg:$0x0] =	wrdreg $0xFFFFFFFF;
	(pc) =	sbr.abs _section_cstart, $3  }
0xc0: {  	[dreg:$0x1] =	wrdreg $0xFFFFFFFF  }
0xc1: {  	_ =	task.clear_ibuf [dreg:s6], $0x2FFFF;
	_ =	strace $0x9FFFFFFF  }
0xc2: {  	(tm) =	ssettm $0x7FFFFFFF  }
0xc3: {  	_ =	shalt  }
tec
execute0_lowered:
.L_overlay_start_1:
0x0: {  	(tag) =	ssettag $0x1  }
0x1: {  	s0 =	srdreg.scid  }
0x2: {  	s6 =	rddreg [dreg:$0x0];
	s4 =	sand.u32 $0x1, s0  }
0x3: {  	s0 =	stileid.u32;
	s5 =	smul.u32 $0x13C0000, s4  }
0x4: {  	s2 =	rddreg [dreg:$0x1];
	s7 =	smul.u32 $0x13C000, s0  }
0x5: {  	s1 =	rddreg [dreg:$0x2];
	s3 =	simm.s32 $0x0;
	s8 =	smul.u32 $0x4F0, s0  }
0x6: {  	s13 =	simm.s32 $0x14080;
	s14 =	simm.s32 $0x80;
	s9 =	smul.u32 $0x140000, s4  }
0x7: {  	s15 =	simm.s32 $0x0;
	[smem:$0x7FF] =	sst s3;
	s24 =	smul.u32 $0x14000, s0  }
0x8: {  	_ =	strace $0x8000004A;
	s26 =	ssub.s32 $0x2, s4;
	s28 =	smul.u32 $0x50000, s0  }
0x9: {  	s4 =	sadd.s32 $0x8000, s6;
	s31 =	sshll.u32 s0, $0x6;
	s29 =	sshrl.u32 s26, $0x1  }
0xa: {  	s5 =	sadd.s32 s7, s5;
	s11 =	sadd.s32 s8, s6;
	s25 =	sadd.s32 s24, s9  }
0xb: {  	s7 =	ssub.s32 s26, s29;
	s30 =	sshrl.u32 s28, $0x2;
	s5 =	sshrl.u32 s5, $0x3  }
0xc: {  	s12 =	sadd.s32 s30, s2;
	s7 =	smax.u32 s7, $0x1;
	s9 =	sadd.s32 $0x3000, s11  }
0xd: {  	s11 =	simm.s32 $0x1;
	s10 =	sadd.s32 s5, s6;
	s5 =	sshrl.u32 s25, $0x3  }
0xe: {  	s6 =	sadd.s32 s5, s6;
	s5 =	sor.u32 $0x1C01, s31;
	s8 =	sadd.s32 $0x154400, s10  }
0xf: {  	s10 =	sshrl.u32 s12, $0x3;
	s12 =	simm.s32 $0x14000;
	s6 =	sadd.s32 $0xA800, s6  }
.LBB2_1:
0x10: {  	[spmem:s10], [sflag:s5] =	dma.local [hbm:s4], $0x2800  }
0x11: {  	_ =	swait.ge [sflag:s11], $0x2800  }
0x12: {  	[sflag:s11] =	ssyncset.done $0x0  }
0x13: {  	[sflag:s11] =	ssyncadd.s32 $0xFFFFD800  }
0x14: {  	s16 =	sadd.s32 $0x0, s9;
	[bflag:$0x0] =	sbarrier.arrive $0xFFFF  }
0x15: {  	[tilespmem:s12], [sflag:$0x1] =	stream.linear.gather [hbm4b:s16+s3], $0x80, $0x38;
	[tilespmem:$0x18080] =	vst v63  }
0x16: {  	_ =	swait.ge [sflag:s11], $0x80  }
0x17: {  	[sflag:s11] =	ssyncset.done $0x0  }
0x18: {  	[sflag:s11] =	ssyncadd.s32 $0xFFFFFF80  }
0x19: {  	[tilespmem:s13], [sflag:$0x1] =	stream.linear.gather [hbm4b:s8+s3], $0x4000, $0x38;
	[tilespmem:$0x18080] =	vst v63  }
0x1a: {  	_ =	swait.ge [sflag:s11], $0x4000  }
0x1b: {  	[sflag:s11] =	ssyncset.done $0x0  }
0x1c: {  	[sflag:s11] =	ssyncadd.s32 $0xFFFFC000  }
0x1d: {  	[spmem:s2] =	stream.indirect.scatter.add.f32 [tilespmem:s13], [sflag:$0x1], $0x80, s12, s14, $0xb8;
	[tilespmem:$0x18080] =	vst v63  }
0x1e: {  	s17 =	simm.s32 $0x10;
	_ =	swait.ge [sflag:s11], $0x4000  }
0x1f: {  	s18 =	simm.s32 $0x20;
	s16 =	sadd.s32 $0x800, s8;
	[sflag:s11] =	ssyncset.done $0x0  }
.LBB2_2:
0x20: {  	s19 =	sadd.s32 s17, s9  }
0x21: {  	[sflag:s11] =	ssyncadd.s32 $0xFFFFC000;
	s17 =	smov.u32 s18;
	s20 =	sadd.s32 $0x10, s18  }
0x22: {  	[tilespmem:s12], [sflag:$0x1] =	stream.linear.gather [hbm4b:s19+s3], $0x80, $0x38;
	[tilespmem:$0x18080] =	vst v63  }
0x23: {  	p0 =	sne.s32 s18, $0x4E0;
	_ =	swait.ge [sflag:s11], $0x80  }
0x24: {  	[sflag:s11] =	ssyncset.done $0x0  }
0x25: {  	[sflag:s11] =	ssyncadd.s32 $0xFFFFFF80  }
0x26: {  	[tilespmem:s13], [sflag:$0x1] =	stream.linear.gather [hbm4b:s16+s3], $0x4000, $0x38;
	[tilespmem:$0x18080] =	vst v63  }
0x27: {  	_ =	swait.ge [sflag:s11], $0x4000  }
.Ltmp0:
0x28: {  	[sflag:s11] =	ssyncset.done $0x0;
	(pc) =	sbr.rel @p0 .LBB2_2-.Ltmp0, $4  }
0x29: {  	[sflag:s11] =	ssyncadd.s32 $0xFFFFC000  }
0x2a: {  	[spmem:s2] =	stream.indirect.scatter.add.f32 [tilespmem:s13], [sflag:$0x1], $0x80, s12, s14, $0xb8;
	[tilespmem:$0x18080] =	vst v63  }
0x2b: {  	_ =	swait.ge [sflag:s11], $0x4000  }
0x2c: {  	s18 =	smov.u32 s20;
	s16 =	sadd.s32 $0x800, s16;
	[sflag:s11] =	ssyncset.done $0x0  }
0x2d: {  	s17 =	sadd.s32 s17, s9;
	[sflag:s11] =	ssyncadd.s32 $0xFFFFC000  }
0x2e: {  	[tilespmem:s12], [sflag:$0x1] =	stream.linear.gather [hbm4b:s17+s3], $0x80, $0x38;
	[tilespmem:$0x18080] =	vst v63  }
0x2f: {  	_ =	swait.ge [sflag:s11], $0x80  }
0x30: {  	[sflag:s11] =	ssyncset.done $0x0  }
0x31: {  	[sflag:s11] =	ssyncadd.s32 $0xFFFFFF80  }
0x32: {  	[tilespmem:s13], [sflag:$0x1] =	stream.linear.gather [hbm4b:s16+s3], $0x4000, $0x38;
	[tilespmem:$0x18080] =	vst v63  }
0x33: {  	_ =	swait.ge [sflag:s11], $0x4000  }
0x34: {  	[sflag:s11] =	ssyncset.done $0x0  }
0x35: {  	[sflag:s11] =	ssyncadd.s32 $0xFFFFC000  }
0x36: {  	[spmem:s2] =	stream.indirect.scatter.add.f32 [tilespmem:s13], [sflag:$0x1], $0x80, s12, s14, $0xb8;
	[tilespmem:$0x18080] =	vst v63  }
0x37: {  	_ =	swait.ge [sflag:s11], $0x4000  }
0x38: {  	s15 =	sadd.s32 $0x1, s15;
	[sflag:s11] =	ssyncset.done $0x0  }
0x39: {  	p0 =	sne.s32 s15, s7;
	[sflag:s11] =	ssyncadd.s32 $0xFFFFC000  }
.Ltmp1:
0x3a: {  	[bflag:$0x0] =	sbarrier.arrive $0xFFFF;
	(pc) =	sbr.rel @p0 .LBB2_1-.Ltmp1, $4  }
0x3b: {  	[hbm:s6], [sflag:s5] =	dma.local [spmem:s10], $0x2800  }
0x3c: {  	_ =	swait.ge [sflag:s11], $0x2800  }
0x3d: {  	[sflag:s11] =	ssyncset.done $0x0  }
0x3e: {  	[sflag:s11] =	ssyncadd.s32 $0xFFFFD800  }
0x3f: {  	_ =	sfence.sel $0x180000  }
0x40: {  	[bflag:$0x0] =	sbarrier.arrive $0xFFFF  }
0x41: {  	p0 =	sne.s32 s0, $0x0;
	_ =	strace $0x9000004A  }
0x42: {  	s0 =	sadd.s32 @!p0 $0x100000, s1;
	[bflag:$0x2] =	sbarrier.arrive $0xFFFF  }
0x43: {  	[sflag:s0] =	ssyncadd.tile.s32 @!p0 $0x1;
	_ =	shalt  }
.Lfunc_end2:
_tile_overlayer_lowered:
.L_overlay_start_2:
0x44: {  	(tag) =	ssettag $0x2  }
0x45: {  	s0 =	rddreg [dreg:$0x0];
	s2 =	stileid.u32  }
0x46: {  	s1 =	rddreg [dreg:$0x1];
	p0 =	sne.s32 s2, $0x0  }
0x47: {  	s3 =	rddreg [dreg:$0x2];
	[bflag:$0x3] =	sbarrier.arrive $0xFFFF;
	s2 =	simm.s32 @!p0 $0x1C01  }
0x48: {  	[timem:s3], [sflag:s2] =	dma.local @!p0 [hbm:s0], s1  }
0x49: {  	s0 =	simm.s32 @!p0 $0x1  }
0x4a: {  	_ =	swait.ge @!p0 [sflag:s0], s1  }
0x4b: {  	s1 =	ssub.s32 @!p0 $0x0, s1;
	[sflag:s0] =	ssyncset.done @!p0 $0x0  }
0x4c: {  	[sflag:s0] =	ssyncadd.s32 @!p0 s1  }
0x4d: {  	[bflag:$0x3] =	sbarrier.arrive $0xFFFF  }
0x4e: {  	_ =	shalt  }

</sc_bundles>
